<compile_context>
chip_gen: v7x
topology: tpu7x:2x2x1
jax: 0.10.2.dev20260603
libtpu: 0.0.44.dev20260713+nightly
codegen_flags: <defaults>
</compile_context>

<pallas_src>
import functools

import jax
import jax.numpy as jnp
from jax import lax
from jax.experimental import pallas as pl
from jax.experimental.pallas import tpu as pltpu
from jax.experimental.pallas import tpu_sc as plsc

_N_HR = 100000
_N_LR = 25000
_E_LR = 400000
_D_IN = 128
_FW = 64

_NLR_PAD = 25600
_STRIPE = _NLR_PAD // 16
_CHUNK = 80
_N_CHUNKS = _N_HR // _CHUNK
_N_WORKERS = 32
_ITERS = -(-_N_CHUNKS // _N_WORKERS)

_SELU_ALPHA = 1.6732632423543772
_SELU_SCALE = 1.0507009873554805


def _selu(x):
    return _SELU_SCALE * jnp.where(x > 0, x, _SELU_ALPHA * (jnp.exp(x) - 1.0))


def _h_body(v_ref, e_ref, m1_ref, m2_ref, r0_ref, r1e_ref, s0_ref, c0_ref,
            cs_ref, w1t_ref, b1_ref, out_ref):
    v = v_ref[...]
    a = e_ref[...]
    p = jnp.dot(v, m1_ref[...], preferred_element_type=jnp.float32)
    tv = p[:, :_FW]
    sum_v = p[:, _FW:_FW + 1]
    vsq = v * v
    q = jnp.dot(vsq, m2_ref[...], preferred_element_type=jnp.float32)
    ssq_v = q[:, 0:1]
    sw = cs_ref[0, 0]
    sb = cs_ref[0, 1]
    sw2 = cs_ref[0, 2]
    swb = cs_ref[0, 3]
    sb2 = cs_ref[0, 4]
    inv_d = 1.0 / (_FW + _D_IN)
    mu = (sum_v + a * sw + sb) * inv_d
    msq = (ssq_v + (a * a) * sw2 + 2.0 * (a * swb) + sb2) * inv_d
    istd = lax.rsqrt((msq - mu * mu) + 1e-5)
    x = istd * (tv + a * r0_ref[...] + r1e_ref[...] - mu * s0_ref[...]) + c0_ref[...]
    x = _selu(x)
    y = jnp.dot(x, w1t_ref[...], preferred_element_type=jnp.float32)
    out_ref[...] = _selu(y + b1_ref[...])


def _compute_h(v, e_hr, m1, m2, r0, r1e, s0, c0, cs, w1t, b1_row):
    blk = 2000
    grid = _N_HR // blk
    full = lambda a: pl.BlockSpec(a.shape, lambda i: (0, 0))
    return pl.pallas_call(
        _h_body,
        grid=(grid,),
        in_specs=[
            pl.BlockSpec((blk, _D_IN), lambda i: (i, 0)),
            pl.BlockSpec((blk, 1), lambda i: (i, 0)),
            full(m1), full(m2), full(r0), full(r1e), full(s0), full(c0),
            full(cs), full(w1t), full(b1_row),
        ],
        out_specs=pl.BlockSpec((blk, _FW), lambda i: (i, 0)),
        out_shape=jax.ShapeDtypeStruct((_N_HR, _FW), jnp.float32),
    )(v, e_hr, m1, m2, r0, r1e, s0, c0, cs, w1t, b1_row)


def _sc_scatter_body(h_hbm, idx_hbm, z2d_hbm, zc_hbm, ones_hbm,
                     out_sums, out_cnt,
                     acc_s, acc_c, hbuf, ibuf, obuf, hsem, isem):
    c = lax.axis_index("c")
    s = lax.axis_index("s")
    wid = c * 16 + s

    pltpu.sync_copy(z2d_hbm.at[pl.ds(s * _STRIPE, _STRIPE)],
                    acc_s.at[pl.ds(s * _STRIPE, _STRIPE)])
    pltpu.sync_copy(zc_hbm.at[pl.ds(s * _STRIPE, _STRIPE)],
                    acc_c.at[pl.ds(s * _STRIPE, _STRIPE)])

    pltpu.sync_copy(ones_hbm, obuf)

    plsc.subcore_barrier()

    pltpu.async_copy(h_hbm.at[pl.ds(wid * _CHUNK, _CHUNK)], hbuf.at[0], hsem.at[0])
    pltpu.async_copy(idx_hbm.at[pl.ds(wid * _CHUNK, _CHUNK)], ibuf.at[0], isem.at[0])

    def step(i, carry):
        k = wid + _N_WORKERS * i
        cur = lax.rem(i, 2)
        nxt = lax.rem(i + 1, 2)
        knext = k + _N_WORKERS

        @pl.when(knext < _N_CHUNKS)
        def _():
            base = knext * _CHUNK
            pltpu.async_copy(h_hbm.at[pl.ds(base, _CHUNK)], hbuf.at[nxt], hsem.at[nxt])
            pltpu.async_copy(idx_hbm.at[pl.ds(base, _CHUNK)], ibuf.at[nxt], isem.at[nxt])

        @pl.when(k < _N_CHUNKS)
        def _():
            base = k * _CHUNK
            pltpu.make_async_copy(h_hbm.at[pl.ds(base, _CHUNK)], hbuf.at[cur],
                                  hsem.at[cur]).wait()
            pltpu.make_async_copy(idx_hbm.at[pl.ds(base, _CHUNK)], ibuf.at[cur],
                                  isem.at[cur]).wait()
            pltpu.sync_copy(hbuf.at[cur], acc_s.at[ibuf.at[cur]], add=True)
            pltpu.sync_copy(obuf, acc_c.at[ibuf.at[cur]], add=True)

        return carry

    lax.fori_loop(0, _ITERS, step, 0)

    plsc.subcore_barrier()

    off = c * _NLR_PAD + s * _STRIPE
    pltpu.sync_copy(acc_s.at[pl.ds(s * _STRIPE, _STRIPE)],
                    out_sums.at[pl.ds(off, _STRIPE)])
    pltpu.sync_copy(acc_c.at[pl.ds(s * _STRIPE, _STRIPE)],
                    out_cnt.at[pl.ds(off, _STRIPE)])


@functools.cache
def _sc_scatter():
    return functools.partial(
        pl.kernel,
        out_type=[
            jax.ShapeDtypeStruct((2 * _NLR_PAD, _FW), jnp.float32),
            jax.ShapeDtypeStruct((2 * _NLR_PAD, 8), jnp.float32),
        ],
        mesh=plsc.VectorSubcoreMesh(core_axis_name="c", subcore_axis_name="s"),
        scratch_types=[
            pltpu.VMEM_SHARED((_NLR_PAD, _FW), jnp.float32),
            pltpu.VMEM_SHARED((_NLR_PAD, 8), jnp.float32),
            pltpu.VMEM((2, _CHUNK, _FW), jnp.float32),
            pltpu.VMEM((2, _CHUNK), jnp.int32),
            pltpu.VMEM((_CHUNK, 8), jnp.float32),
            pltpu.SemaphoreType.DMA((2,)),
            pltpu.SemaphoreType.DMA((2,)),
        ],
        compiler_params=pltpu.CompilerParams(use_tc_tiling_on_sc=False),
    )(_sc_scatter_body)


def _comb_body(s_ref, c_ref, o_ref):
    ssum = s_ref[0] + s_ref[1]
    cnt = c_ref[0, :, 0:1] + c_ref[1, :, 0:1]
    o_ref[...] = ssum / jnp.maximum(cnt, 1.0)


def _combine(psums, pcnt):
    blk = 1000
    grid = _N_LR // blk
    return pl.pallas_call(
        _comb_body,
        grid=(grid,),
        in_specs=[
            pl.BlockSpec((2, blk, _FW), lambda i: (0, i, 0)),
            pl.BlockSpec((2, blk, 8), lambda i: (0, i, 0)),
        ],
        out_specs=pl.BlockSpec((blk, _FW), lambda i: (i, 0)),
        out_shape=jax.ShapeDtypeStruct((_N_LR, _FW), jnp.float32),
    )(psums, pcnt)


def _edge_body(a_ref, w_ref, b_ref, o_ref):
    o_ref[...] = (jnp.dot(w_ref[...], a_ref[...],
                          preferred_element_type=jnp.float32) + b_ref[...])


def _edge_encode_t(edge_attr_t, wlr, blr_col):
    blk = 16000
    grid = _E_LR // blk
    return pl.pallas_call(
        _edge_body,
        grid=(grid,),
        in_specs=[
            pl.BlockSpec((3, blk), lambda i: (0, i)),
            pl.BlockSpec(wlr.shape, lambda i: (0, 0)),
            pl.BlockSpec(blr_col.shape, lambda i: (0, 0)),
        ],
        out_specs=pl.BlockSpec((_FW, blk), lambda i: (0, i)),
        out_shape=jax.ShapeDtypeStruct((_FW, _E_LR), jnp.float32),
    )(edge_attr_t, wlr, blr_col)


@jax.jit
def kernel(v, e_hr_to_lr, idxHr_to_idxLr, batch_lr, edge_index_lr, edge_attr_lr,
           W_enc, b_enc, gamma, beta, W0, b0, W1, b1, W_lr, b_lr):
    wenc = W_enc[:, 0]
    w0g = gamma[:, None] * W0.T
    w0g_e = w0g[:_FW]
    w0g_v = w0g[_FW:]
    r0 = wenc[None, :] @ w0g_e
    r1e = b_enc[None, :] @ w0g_e
    m1 = jnp.concatenate(
        [w0g_v, jnp.ones((_D_IN, 1), jnp.float32),
         jnp.zeros((_D_IN, _D_IN - _FW - 1), jnp.float32)], axis=1)
    m2 = jnp.ones((_D_IN, 8), jnp.float32)
    s0 = jnp.sum(w0g, axis=0, keepdims=True)
    c0 = beta[None, :] @ W0.T + b0[None, :]
    cs = jnp.stack(
        [jnp.sum(wenc), jnp.sum(b_enc), jnp.sum(wenc * wenc),
         jnp.sum(wenc * b_enc), jnp.sum(b_enc * b_enc),
         jnp.zeros(()), jnp.zeros(()), jnp.zeros(())])[None, :]
    w1t = W1.T
    b1_row = b1.reshape(1, _FW)

    h = _compute_h(v, e_hr_to_lr, m1, m2, r0, r1e, s0, c0, cs, w1t, b1_row)

    z2d = jnp.zeros((_NLR_PAD, _FW), jnp.float32)
    zc = jnp.zeros((_NLR_PAD, 8), jnp.float32)
    ones = jnp.ones((_CHUNK, 8), jnp.float32)
    flat_sums, flat_cnt = _sc_scatter()(h, idxHr_to_idxLr, z2d, zc, ones)
    psums = flat_sums.reshape(2, _NLR_PAD, _FW)
    pcnt = flat_cnt.reshape(2, _NLR_PAD, 8)

    v_out = _combine(psums, pcnt)
    e_out = _edge_encode_t(edge_attr_lr.T, W_lr, b_lr.reshape(_FW, 1)).T
    return (v_out, e_out)

# --- scband reference (transcript-rebuilt; emitter-appended) ---
"""Pipeline reference for scband-mesh-down-mp-62947040690378 (READ-ONLY COPY).

The authoritative reference and input builder live on the scoring server;
editing this copy changes nothing except your own understanding.
"""

import jax, jax.numpy as jnp
import numpy as np

N_HR = 100000
N_LR = 25000
E_LR = 400000
D_IN = 128
FW = 64
DIM = 3


def setup_inputs(seed: int = 0) -> dict:
    key = jax.random.key(seed)
    ks = jax.random.split(key, 16)
    v = jax.random.normal(ks[0], (N_HR, D_IN), dtype=jnp.float32)
    e_hr_to_lr = jax.random.normal(ks[1], (N_HR, 1), dtype=jnp.float32)
    idxHr_to_idxLr = jax.random.randint(ks[2], (N_HR,), 0, N_LR, dtype=jnp.int32)
    batch_lr = jnp.zeros((N_LR,), dtype=jnp.int32)
    edge_index_lr = jax.random.randint(ks[3], (2, E_LR), 0, N_LR, dtype=jnp.int32)
    edge_attr_lr = jax.random.normal(ks[4], (E_LR, DIM), dtype=jnp.float32)
    # learned parameters
    W_enc = jax.random.normal(ks[5], (FW, 1), dtype=jnp.float32) * 1.0
    b_enc = jnp.zeros((FW,), dtype=jnp.float32)
    gamma = jnp.ones((FW + D_IN,), dtype=jnp.float32)
    beta = jnp.zeros((FW + D_IN,), dtype=jnp.float32)
    W0 = jax.random.normal(ks[6], (FW, FW + D_IN), dtype=jnp.float32) * (1.0 / np.sqrt(FW + D_IN))
    b0 = jnp.zeros((FW,), dtype=jnp.float32)
    W1 = jax.random.normal(ks[7], (FW, FW), dtype=jnp.float32) * (1.0 / np.sqrt(FW))
    b1 = jnp.zeros((FW,), dtype=jnp.float32)
    W_lr = jax.random.normal(ks[8], (FW, DIM), dtype=jnp.float32) * (1.0 / np.sqrt(DIM))
    b_lr = jnp.zeros((FW,), dtype=jnp.float32)
    return {"v": v, "e_hr_to_lr": e_hr_to_lr, "idxHr_to_idxLr": idxHr_to_idxLr,
            "batch_lr": batch_lr, "edge_index_lr": edge_index_lr, "edge_attr_lr": edge_attr_lr,
            "W_enc": W_enc, "b_enc": b_enc, "gamma": gamma, "beta": beta,
            "W0": W0, "b0": b0, "W1": W1, "b1": b1, "W_lr": W_lr, "b_lr": b_lr}


def reference(v, e_hr_to_lr, idxHr_to_idxLr, batch_lr, edge_index_lr, edge_attr_lr,
              W_enc, b_enc, gamma, beta, W0, b0, W1, b1, W_lr, b_lr):
    # edge_encoder_hr_to_lr (Linear 1 -> fnn_width)
    e = e_hr_to_lr @ W_enc.T + b_enc
    # concat with hr node features, layer norm
    h = jnp.concatenate([e, v], axis=-1)
    mu = jnp.mean(h, axis=-1, keepdims=True)
    var = jnp.var(h, axis=-1, keepdims=True)
    h = (h - mu) / jnp.sqrt(var + 1e-5) * gamma + beta
    # FNN: depth 2, SELU activations (dropout=0.0 -> identity)
    h = jax.nn.selu(h @ W0.T + b0)
    h = jax.nn.selu(h @ W1.T + b1)
    # scatter-mean aggregation hr -> lr
    sums = jax.ops.segment_sum(h, idxHr_to_idxLr, num_segments=N_LR)
    cnt = jax.ops.segment_sum(jnp.ones((N_HR, 1), dtype=h.dtype), idxHr_to_idxLr, num_segments=N_LR)
    v_out = sums / jnp.maximum(cnt, 1.0)
    # edge_encoder_lr (Linear dim -> fnn_width)
    e_out = edge_attr_lr @ W_lr.T + b_lr
    return (v_out, e_out)

if __name__ == "__main__":
    import jax
    _d = setup_inputs()
    print(jax.jit(kernel)(*tuple(_d.values())))

</pallas_src>

<mosaic_0001>
#map = affine_map<(d0, d1) -> (0, 0)>
#map1 = affine_map<(d0, d1) -> (0)>
module attributes {stable_mosaic.version = 14 : i64} {
  func.func @_sc_scatter_body(%arg0: i32, %arg1: i32, %arg2: memref<100000x64xf32, #tpu.memory_space<hbm>>, %arg3: memref<100000xi32, #tpu.memory_space<hbm>>, %arg4: memref<25600x64xf32, #tpu.memory_space<hbm>>, %arg5: memref<25600x8xf32, #tpu.memory_space<hbm>>, %arg6: memref<80x8xf32, #tpu.memory_space<hbm>>, %arg7: memref<51200x64xf32, #tpu.memory_space<hbm>>, %arg8: memref<51200x8xf32, #tpu.memory_space<hbm>>, %arg9: memref<25600x64xf32, #tpu.memory_space<vmem_shared>>, %arg10: memref<25600x8xf32, #tpu.memory_space<vmem_shared>>, %arg11: memref<2x80x64xf32, #tpu.memory_space<vmem>>, %arg12: memref<2x80xi32, #tpu.memory_space<vmem>>, %arg13: memref<80x8xf32, #tpu.memory_space<vmem>>, %arg14: memref<2x!tpu.dma_semaphore, #tpu.memory_space<semaphore_mem>>, %arg15: memref<2x!tpu.dma_semaphore, #tpu.memory_space<semaphore_mem>>) attributes {dimension_semantics = [#tpu.dimension_semantics<core_parallel>, #tpu.dimension_semantics<subcore_parallel>], iteration_bounds = array<i64: 2, 16>, scalar_prefetch = 0 : i64, scratch_operands = 7 : i64, tpu.core_type = #tpu.core_type<sc_vector_subcore>, window_params = [{transform_indices = #map}, {transform_indices = #map1}, {transform_indices = #map}, {transform_indices = #map}, {transform_indices = #map}, {transform_indices = #map}, {transform_indices = #map}]} {
    %mul3A = arith.constant 16 : i32
    %mul3A_0 = arith.muli %arg0, %mul3A : i32
    %add3A = arith.addi %mul3A_0, %arg1 : i32
    %mul3A_1 = arith.constant 1600 : i32
    %mul3A_2 = arith.muli %arg1, %mul3A_1 : i32
    %mul3A_3 = arith.constant 1600 : i32
    %mul3A_4 = arith.muli %arg1, %mul3A_3 : i32
    "tpu.region"() ({
      %run_scoped3A = tpu.sem_alloc : memref<!tpu.dma_semaphore, #tpu.memory_space<semaphore_mem>>
      %dma_start3A_55 = arith.constant 0 : i32
      %dma_start3A_56 = tpu.memref_slice %arg9[%mul3A_4, %dma_start3A_55] : memref<25600x64xf32, #tpu.memory_space<vmem_shared>> -> memref<1600x64xf32, #tpu.memory_space<vmem_shared>>
      %dma_start3A_57 = arith.constant 0 : i32
      %dma_start3A_58 = tpu.memref_slice %arg4[%mul3A_2, %dma_start3A_57] : memref<25600x64xf32, #tpu.memory_space<hbm>> -> memref<1600x64xf32, #tpu.memory_space<hbm>>
      tpu.enqueue_dma source(%dma_start3A_58 : memref<1600x64xf32, #tpu.memory_space<hbm>>) target(%dma_start3A_56 : memref<1600x64xf32, #tpu.memory_space<vmem_shared>>) target_semaphore(%run_scoped3A : memref<!tpu.dma_semaphore, #tpu.memory_space<semaphore_mem>>)
      %dma_wait3A = arith.constant 0 : i32
      %dma_wait3A_59 = tpu.memref_slice %arg9[%mul3A_4, %dma_wait3A] : memref<25600x64xf32, #tpu.memory_space<vmem_shared>> -> memref<1600x64xf32, #tpu.memory_space<vmem_shared>>
      %dma_wait3A_60 = arith.constant 0 : i32
      %dma_wait3A_61 = tpu.memref_slice %arg4[%mul3A_2, %dma_wait3A_60] : memref<25600x64xf32, #tpu.memory_space<hbm>> -> memref<1600x64xf32, #tpu.memory_space<hbm>>
      tpu.wait_dma2 semaphore(%run_scoped3A : memref<!tpu.dma_semaphore, #tpu.memory_space<semaphore_mem>>) src(%dma_wait3A_61 : memref<1600x64xf32, #tpu.memory_space<hbm>>) dst(%dma_wait3A_59 : memref<1600x64xf32, #tpu.memory_space<vmem_shared>>)
      tpu.yield
    }) : () -> ()
    %mul3A_5 = arith.constant 1600 : i32
    %mul3A_6 = arith.muli %arg1, %mul3A_5 : i32
    %mul3A_7 = arith.constant 1600 : i32
    %mul3A_8 = arith.muli %arg1, %mul3A_7 : i32
    "tpu.region"() ({
      %run_scoped3A = tpu.sem_alloc : memref<!tpu.dma_semaphore, #tpu.memory_space<semaphore_mem>>
      %dma_start3A_55 = arith.constant 0 : i32
      %dma_start3A_56 = tpu.memref_slice %arg10[%mul3A_8, %dma_start3A_55] : memref<25600x8xf32, #tpu.memory_space<vmem_shared>> -> memref<1600x8xf32, #tpu.memory_space<vmem_shared>>
      %dma_start3A_57 = arith.constant 0 : i32
      %dma_start3A_58 = tpu.memref_slice %arg5[%mul3A_6, %dma_start3A_57] : memref<25600x8xf32, #tpu.memory_space<hbm>> -> memref<1600x8xf32, #tpu.memory_space<hbm>>
      tpu.enqueue_dma source(%dma_start3A_58 : memref<1600x8xf32, #tpu.memory_space<hbm>>) target(%dma_start3A_56 : memref<1600x8xf32, #tpu.memory_space<vmem_shared>>) target_semaphore(%run_scoped3A : memref<!tpu.dma_semaphore, #tpu.memory_space<semaphore_mem>>)
      %dma_wait3A = arith.constant 0 : i32
      %dma_wait3A_59 = tpu.memref_slice %arg10[%mul3A_8, %dma_wait3A] : memref<25600x8xf32, #tpu.memory_space<vmem_shared>> -> memref<1600x8xf32, #tpu.memory_space<vmem_shared>>
      %dma_wait3A_60 = arith.constant 0 : i32
      %dma_wait3A_61 = tpu.memref_slice %arg5[%mul3A_6, %dma_wait3A_60] : memref<25600x8xf32, #tpu.memory_space<hbm>> -> memref<1600x8xf32, #tpu.memory_space<hbm>>
      tpu.wait_dma2 semaphore(%run_scoped3A : memref<!tpu.dma_semaphore, #tpu.memory_space<semaphore_mem>>) src(%dma_wait3A_61 : memref<1600x8xf32, #tpu.memory_space<hbm>>) dst(%dma_wait3A_59 : memref<1600x8xf32, #tpu.memory_space<vmem_shared>>)
      tpu.yield
    }) : () -> ()
    "tpu.region"() ({
      %run_scoped3A = tpu.sem_alloc : memref<!tpu.dma_semaphore, #tpu.memory_space<semaphore_mem>>
      tpu.enqueue_dma source(%arg6 : memref<80x8xf32, #tpu.memory_space<hbm>>) target(%arg13 : memref<80x8xf32, #tpu.memory_space<vmem>>) target_semaphore(%run_scoped3A : memref<!tpu.dma_semaphore, #tpu.memory_space<semaphore_mem>>)
      tpu.wait_dma2 semaphore(%run_scoped3A : memref<!tpu.dma_semaphore, #tpu.memory_space<semaphore_mem>>) src(%arg6 : memref<80x8xf32, #tpu.memory_space<hbm>>) dst(%arg13 : memref<80x8xf32, #tpu.memory_space<vmem>>)
      tpu.yield
    }) : () -> ()
    %barrier3A = arith.constant 0 : index
    tpu.barrier barrier_id(%barrier3A)
    %mul3A_9 = arith.constant 80 : i32
    %mul3A_10 = arith.muli %add3A, %mul3A_9 : i32
    %dma_start3A = arith.constant 0 : i32
    %dma_start3A_11 = arith.constant 0 : i32
    %dma_start3A_12 = arith.constant 0 : i32
    %dma_start3A_13 = arith.constant 0 : i32
    %dma_start3A_14 = tpu.memref_slice %arg11[%dma_start3A, %dma_start3A_12, %dma_start3A_13] : memref<2x80x64xf32, #tpu.memory_space<vmem>> -> memref<1x80x64xf32, #tpu.memory_space<vmem>>
    %dma_start3A_15 = tpu.memref_squeeze %dma_start3A_14 : memref<1x80x64xf32, #tpu.memory_space<vmem>> -> memref<80x64xf32, #tpu.memory_space<vmem>>
    %dma_start3A_16 = arith.constant 0 : i32
    %dma_start3A_17 = tpu.memref_slice %arg2[%mul3A_10, %dma_start3A_16] : memref<100000x64xf32, #tpu.memory_space<hbm>> -> memref<80x64xf32, #tpu.memory_space<hbm>>
    %dma_start3A_18 = tpu.memref_slice %arg14[%dma_start3A_11] : memref<2x!tpu.dma_semaphore, #tpu.memory_space<semaphore_mem>> -> memref<1x!tpu.dma_semaphore, #tpu.memory_space<semaphore_mem>>
    %dma_start3A_19 = tpu.memref_squeeze %dma_start3A_18 : memref<1x!tpu.dma_semaphore, #tpu.memory_space<semaphore_mem>> -> memref<!tpu.dma_semaphore, #tpu.memory_space<semaphore_mem>>
    %dma_start3A_20 = arith.constant 0 : i32
    %dma_start3A_21 = arith.constant 0 : i32
    %dma_start3A_22 = tpu.memref_slice %arg11[%dma_start3A, %dma_start3A_20, %dma_start3A_21] : memref<2x80x64xf32, #tpu.memory_space<vmem>> -> memref<1x80x64xf32, #tpu.memory_space<vmem>>
    %dma_start3A_23 = tpu.memref_squeeze %dma_start3A_22 : memref<1x80x64xf32, #tpu.memory_space<vmem>> -> memref<80x64xf32, #tpu.memory_space<vmem>>
    %dma_start3A_24 = arith.constant 0 : i32
    %dma_start3A_25 = tpu.memref_slice %arg2[%mul3A_10, %dma_start3A_24] : memref<100000x64xf32, #tpu.memory_space<hbm>> -> memref<80x64xf32, #tpu.memory_space<hbm>>
    tpu.enqueue_dma source(%dma_start3A_25 : memref<80x64xf32, #tpu.memory_space<hbm>>) target(%dma_start3A_23 : memref<80x64xf32, #tpu.memory_space<vmem>>) target_semaphore(%dma_start3A_19 : memref<!tpu.dma_semaphore, #tpu.memory_space<semaphore_mem>>)
    %mul3A_26 = arith.constant 80 : i32
    %mul3A_27 = arith.muli %add3A, %mul3A_26 : i32
    %dma_start3A_28 = arith.constant 0 : i32
    %dma_start3A_29 = arith.constant 0 : i32
    %dma_start3A_30 = arith.constant 0 : i32
    %dma_start3A_31 = tpu.memref_slice %arg12[%dma_start3A_28, %dma_start3A_30] : memref<2x80xi32, #tpu.memory_space<vmem>> -> memref<1x80xi32, #tpu.memory_space<vmem>>
    %dma_start3A_32 = tpu.memref_squeeze %dma_start3A_31 : memref<1x80xi32, #tpu.memory_space<vmem>> -> memref<80xi32, #tpu.memory_space<vmem>>
    %dma_start3A_33 = tpu.memref_slice %arg3[%mul3A_27] : memref<100000xi32, #tpu.memory_space<hbm>> -> memref<80xi32, #tpu.memory_space<hbm>>
    %dma_start3A_34 = tpu.memref_slice %arg15[%dma_start3A_29] : memref<2x!tpu.dma_semaphore, #tpu.memory_space<semaphore_mem>> -> memref<1x!tpu.dma_semaphore, #tpu.memory_space<semaphore_mem>>
    %dma_start3A_35 = tpu.memref_squeeze %dma_start3A_34 : memref<1x!tpu.dma_semaphore, #tpu.memory_space<semaphore_mem>> -> memref<!tpu.dma_semaphore, #tpu.memory_space<semaphore_mem>>
    %dma_start3A_36 = arith.constant 0 : i32
    %dma_start3A_37 = tpu.memref_slice %arg12[%dma_start3A_28, %dma_start3A_36] : memref<2x80xi32, #tpu.memory_space<vmem>> -> memref<1x80xi32, #tpu.memory_space<vmem>>
    %dma_start3A_38 = tpu.memref_squeeze %dma_start3A_37 : memref<1x80xi32, #tpu.memory_space<vmem>> -> memref<80xi32, #tpu.memory_space<vmem>>
    %dma_start3A_39 = tpu.memref_slice %arg3[%mul3A_27] : memref<100000xi32, #tpu.memory_space<hbm>> -> memref<80xi32, #tpu.memory_space<hbm>>
    tpu.enqueue_dma source(%dma_start3A_39 : memref<80xi32, #tpu.memory_space<hbm>>) target(%dma_start3A_38 : memref<80xi32, #tpu.memory_space<vmem>>) target_semaphore(%dma_start3A_35 : memref<!tpu.dma_semaphore, #tpu.memory_space<semaphore_mem>>)
    %scan3A = arith.constant 0 : i32
    %scan3A_40 = arith.constant 0 : i32
    %scan3A_41 = arith.constant 40 : i32
    %scan3A_42 = arith.addi %scan3A_40, %scan3A_41 : i32
    %scan3A_43 = arith.constant 1 : i32
    scf.for %scan3A_55 = %scan3A_40 to %scan3A_42 step %scan3A_43  : i32 {
      %mul3A_56 = arith.constant 32 : i32
      %mul3A_57 = arith.muli %mul3A_56, %scan3A_55 : i32
      %add3A_58 = arith.addi %add3A, %mul3A_57 : i32
      %rem3A = arith.constant 2 : i32
      %rem3A_59 = arith.remsi %scan3A_55, %rem3A : i32
      %add3A_60 = arith.constant 1 : i32
      %add3A_61 = arith.addi %scan3A_55, %add3A_60 : i32
      %rem3A_62 = arith.constant 2 : i32
      %rem3A_63 = arith.remsi %add3A_61, %rem3A_62 : i32
      %add3A_64 = arith.constant 32 : i32
      %add3A_65 = arith.addi %add3A_58, %add3A_64 : i32
      %lt3A = arith.constant 1250 : i32
      %lt3A_66 = arith.cmpi slt, %add3A_65, %lt3A : i32
      %convert_element_type3A = arith.extui %lt3A_66 : i1 to i32
      %cond3A = arith.constant 0 : i32
      %cond3A_67 = arith.cmpi ne, %convert_element_type3A, %cond3A : i32
      scf.if %cond3A_67 {
        %mul3A_73 = arith.constant 80 : i32
        %mul3A_74 = arith.muli %add3A_65, %mul3A_73 : i32
        %dma_start3A_75 = arith.constant 0 : i32
        %dma_start3A_76 = arith.constant 0 : i32
        %dma_start3A_77 = tpu.memref_slice %arg11[%rem3A_63, %dma_start3A_75, %dma_start3A_76] : memref<2x80x64xf32, #tpu.memory_space<vmem>> -> memref<1x80x64xf32, #tpu.memory_space<vmem>>
        %dma_start3A_78 = tpu.memref_squeeze %dma_start3A_77 : memref<1x80x64xf32, #tpu.memory_space<vmem>> -> memref<80x64xf32, #tpu.memory_space<vmem>>
        %dma_start3A_79 = arith.constant 0 : i32
        %dma_start3A_80 = tpu.memref_slice %arg2[%mul3A_74, %dma_start3A_79] : memref<100000x64xf32, #tpu.memory_space<hbm>> -> memref<80x64xf32, #tpu.memory_space<hbm>>
        %dma_start3A_81 = tpu.memref_slice %arg14[%rem3A_63] : memref<2x!tpu.dma_semaphore, #tpu.memory_space<semaphore_mem>> -> memref<1x!tpu.dma_semaphore, #tpu.memory_space<semaphore_mem>>
        %dma_start3A_82 = tpu.memref_squeeze %dma_start3A_81 : memref<1x!tpu.dma_semaphore, #tpu.memory_space<semaphore_mem>> -> memref<!tpu.dma_semaphore, #tpu.memory_space<semaphore_mem>>
        %dma_start3A_83 = arith.constant 0 : i32
        %dma_start3A_84 = arith.constant 0 : i32
        %dma_start3A_85 = tpu.memref_slice %arg11[%rem3A_63, %dma_start3A_83, %dma_start3A_84] : memref<2x80x64xf32, #tpu.memory_space<vmem>> -> memref<1x80x64xf32, #tpu.memory_space<vmem>>
        %dma_start3A_86 = tpu.memref_squeeze %dma_start3A_85 : memref<1x80x64xf32, #tpu.memory_space<vmem>> -> memref<80x64xf32, #tpu.memory_space<vmem>>
        %dma_start3A_87 = arith.constant 0 : i32
        %dma_start3A_88 = tpu.memref_slice %arg2[%mul3A_74, %dma_start3A_87] : memref<100000x64xf32, #tpu.memory_space<hbm>> -> memref<80x64xf32, #tpu.memory_space<hbm>>
        tpu.enqueue_dma source(%dma_start3A_88 : memref<80x64xf32, #tpu.memory_space<hbm>>) target(%dma_start3A_86 : memref<80x64xf32, #tpu.memory_space<vmem>>) target_semaphore(%dma_start3A_82 : memref<!tpu.dma_semaphore, #tpu.memory_space<semaphore_mem>>)
        %dma_start3A_89 = arith.constant 0 : i32
        %dma_start3A_90 = tpu.memref_slice %arg12[%rem3A_63, %dma_start3A_89] : memref<2x80xi32, #tpu.memory_space<vmem>> -> memref<1x80xi32, #tpu.memory_space<vmem>>
        %dma_start3A_91 = tpu.memref_squeeze %dma_start3A_90 : memref<1x80xi32, #tpu.memory_space<vmem>> -> memref<80xi32, #tpu.memory_space<vmem>>
        %dma_start3A_92 = tpu.memref_slice %arg3[%mul3A_74] : memref<100000xi32, #tpu.memory_space<hbm>> -> memref<80xi32, #tpu.memory_space<hbm>>
        %dma_start3A_93 = tpu.memref_slice %arg15[%rem3A_63] : memref<2x!tpu.dma_semaphore, #tpu.memory_space<semaphore_mem>> -> memref<1x!tpu.dma_semaphore, #tpu.memory_space<semaphore_mem>>
        %dma_start3A_94 = tpu.memref_squeeze %dma_start3A_93 : memref<1x!tpu.dma_semaphore, #tpu.memory_space<semaphore_mem>> -> memref<!tpu.dma_semaphore, #tpu.memory_space<semaphore_mem>>
        %dma_start3A_95 = arith.constant 0 : i32
        %dma_start3A_96 = tpu.memref_slice %arg12[%rem3A_63, %dma_start3A_95] : memref<2x80xi32, #tpu.memory_space<vmem>> -> memref<1x80xi32, #tpu.memory_space<vmem>>
        %dma_start3A_97 = tpu.memref_squeeze %dma_start3A_96 : memref<1x80xi32, #tpu.memory_space<vmem>> -> memref<80xi32, #tpu.memory_space<vmem>>
        %dma_start3A_98 = tpu.memref_slice %arg3[%mul3A_74] : memref<100000xi32, #tpu.memory_space<hbm>> -> memref<80xi32, #tpu.memory_space<hbm>>
        tpu.enqueue_dma source(%dma_start3A_98 : memref<80xi32, #tpu.memory_space<hbm>>) target(%dma_start3A_97 : memref<80xi32, #tpu.memory_space<vmem>>) target_semaphore(%dma_start3A_94 : memref<!tpu.dma_semaphore, #tpu.memory_space<semaphore_mem>>)
      } else {
      }
      %lt3A_68 = arith.constant 1250 : i32
      %lt3A_69 = arith.cmpi slt, %add3A_58, %lt3A_68 : i32
      %convert_element_type3A_70 = arith.extui %lt3A_69 : i1 to i32
      %cond3A_71 = arith.constant 0 : i32
      %cond3A_72 = arith.cmpi ne, %convert_element_type3A_70, %cond3A_71 : i32
      scf.if %cond3A_72 {
        %mul3A_73 = arith.constant 80 : i32
        %mul3A_74 = arith.muli %add3A_58, %mul3A_73 : i32
        %dma_wait3A = arith.constant 0 : i32
        %dma_wait3A_75 = arith.constant 0 : i32
        %dma_wait3A_76 = tpu.memref_slice %arg11[%rem3A_59, %dma_wait3A, %dma_wait3A_75] : memref<2x80x64xf32, #tpu.memory_space<vmem>> -> memref<1x80x64xf32, #tpu.memory_space<vmem>>
        %dma_wait3A_77 = tpu.memref_squeeze %dma_wait3A_76 : memref<1x80x64xf32, #tpu.memory_space<vmem>> -> memref<80x64xf32, #tpu.memory_space<vmem>>
        %dma_wait3A_78 = arith.constant 0 : i32
        %dma_wait3A_79 = tpu.memref_slice %arg2[%mul3A_74, %dma_wait3A_78] : memref<100000x64xf32, #tpu.memory_space<hbm>> -> memref<80x64xf32, #tpu.memory_space<hbm>>
        %dma_wait3A_80 = tpu.memref_slice %arg14[%rem3A_59] : memref<2x!tpu.dma_semaphore, #tpu.memory_space<semaphore_mem>> -> memref<1x!tpu.dma_semaphore, #tpu.memory_space<semaphore_mem>>
        %dma_wait3A_81 = tpu.memref_squeeze %dma_wait3A_80 : memref<1x!tpu.dma_semaphore, #tpu.memory_space<semaphore_mem>> -> memref<!tpu.dma_semaphore, #tpu.memory_space<semaphore_mem>>
        %dma_wait3A_82 = arith.constant 0 : i32
        %dma_wait3A_83 = arith.constant 0 : i32
        %dma_wait3A_84 = tpu.memref_slice %arg11[%rem3A_59, %dma_wait3A_82, %dma_wait3A_83] : memref<2x80x64xf32, #tpu.memory_space<vmem>> -> memref<1x80x64xf32, #tpu.memory_space<vmem>>
        %dma_wait3A_85 = tpu.memref_squeeze %dma_wait3A_84 : memref<1x80x64xf32, #tpu.memory_space<vmem>> -> memref<80x64xf32, #tpu.memory_space<vmem>>
        %dma_wait3A_86 = arith.constant 0 : i32
        %dma_wait3A_87 = tpu.memref_slice %arg2[%mul3A_74, %dma_wait3A_86] : memref<100000x64xf32, #tpu.memory_space<hbm>> -> memref<80x64xf32, #tpu.memory_space<hbm>>
        tpu.wait_dma2 semaphore(%dma_wait3A_81 : memref<!tpu.dma_semaphore, #tpu.memory_space<semaphore_mem>>) src(%dma_wait3A_87 : memref<80x64xf32, #tpu.memory_space<hbm>>) dst(%dma_wait3A_85 : memref<80x64xf32, #tpu.memory_space<vmem>>)
        %dma_wait3A_88 = arith.constant 0 : i32
        %dma_wait3A_89 = tpu.memref_slice %arg12[%rem3A_59, %dma_wait3A_88] : memref<2x80xi32, #tpu.memory_space<vmem>> -> memref<1x80xi32, #tpu.memory_space<vmem>>
        %dma_wait3A_90 = tpu.memref_squeeze %dma_wait3A_89 : memref<1x80xi32, #tpu.memory_space<vmem>> -> memref<80xi32, #tpu.memory_space<vmem>>
        %dma_wait3A_91 = tpu.memref_slice %arg3[%mul3A_74] : memref<100000xi32, #tpu.memory_space<hbm>> -> memref<80xi32, #tpu.memory_space<hbm>>
        %dma_wait3A_92 = tpu.memref_slice %arg15[%rem3A_59] : memref<2x!tpu.dma_semaphore, #tpu.memory_space<semaphore_mem>> -> memref<1x!tpu.dma_semaphore, #tpu.memory_space<semaphore_mem>>
        %dma_wait3A_93 = tpu.memref_squeeze %dma_wait3A_92 : memref<1x!tpu.dma_semaphore, #tpu.memory_space<semaphore_mem>> -> memref<!tpu.dma_semaphore, #tpu.memory_space<semaphore_mem>>
        %dma_wait3A_94 = arith.constant 0 : i32
        %dma_wait3A_95 = tpu.memref_slice %arg12[%rem3A_59, %dma_wait3A_94] : memref<2x80xi32, #tpu.memory_space<vmem>> -> memref<1x80xi32, #tpu.memory_space<vmem>>
        %dma_wait3A_96 = tpu.memref_squeeze %dma_wait3A_95 : memref<1x80xi32, #tpu.memory_space<vmem>> -> memref<80xi32, #tpu.memory_space<vmem>>
        %dma_wait3A_97 = tpu.memref_slice %arg3[%mul3A_74] : memref<100000xi32, #tpu.memory_space<hbm>> -> memref<80xi32, #tpu.memory_space<hbm>>
        tpu.wait_dma2 semaphore(%dma_wait3A_93 : memref<!tpu.dma_semaphore, #tpu.memory_space<semaphore_mem>>) src(%dma_wait3A_97 : memref<80xi32, #tpu.memory_space<hbm>>) dst(%dma_wait3A_96 : memref<80xi32, #tpu.memory_space<vmem>>)
        "tpu.region"() ({
          %run_scoped3A = tpu.sem_alloc : memref<!tpu.dma_semaphore, #tpu.memory_space<semaphore_mem>>
          %dma_start3A_98 = arith.constant 0 : i32
          %dma_start3A_99 = arith.constant 0 : i32
          %dma_start3A_100 = tpu.memref_slice %arg11[%rem3A_59, %dma_start3A_98, %dma_start3A_99] : memref<2x80x64xf32, #tpu.memory_space<vmem>> -> memref<1x80x64xf32, #tpu.memory_space<vmem>>
          %dma_start3A_101 = tpu.memref_squeeze %dma_start3A_100 : memref<1x80x64xf32, #tpu.memory_space<vmem>> -> memref<80x64xf32, #tpu.memory_space<vmem>>
          %dma_start3A_102 = arith.constant 0 : i32
          %dma_start3A_103 = tpu.memref_slice %arg12[%rem3A_59, %dma_start3A_102] : memref<2x80xi32, #tpu.memory_space<vmem>> -> memref<1x80xi32, #tpu.memory_space<vmem>>
          %dma_start3A_104 = tpu.memref_squeeze %dma_start3A_103 : memref<1x80xi32, #tpu.memory_space<vmem>> -> memref<80xi32, #tpu.memory_space<vmem>>
          %dma_start3A_105 = arith.constant 0 : i32
          %dma_start3A_106 = arith.constant 0 : i32
          %dma_start3A_107 = tpu.memref_slice %arg9[%dma_start3A_105, %dma_start3A_106] : memref<25600x64xf32, #tpu.memory_space<vmem_shared>> -> memref<25600x64xf32, #tpu.memory_space<vmem_shared>>
          tpu.enqueue_indirect_dma source(%dma_start3A_101 : memref<80x64xf32, #tpu.memory_space<vmem>>) target(%dma_start3A_107 : memref<25600x64xf32, #tpu.memory_space<vmem_shared>>) offsets(%dma_start3A_104 : memref<80xi32, #tpu.memory_space<vmem>>) semaphore(%run_scoped3A : memref<!tpu.dma_semaphore, #tpu.memory_space<semaphore_mem>>) {add = true}
          %dma_wait3A_108 = arith.constant 0 : i32
          %dma_wait3A_109 = arith.constant 0 : i32
          %dma_wait3A_110 = tpu.memref_slice %arg11[%rem3A_59, %dma_wait3A_108, %dma_wait3A_109] : memref<2x80x64xf32, #tpu.memory_space<vmem>> -> memref<1x80x64xf32, #tpu.memory_space<vmem>>
          %dma_wait3A_111 = tpu.memref_squeeze %dma_wait3A_110 : memref<1x80x64xf32, #tpu.memory_space<vmem>> -> memref<80x64xf32, #tpu.memory_space<vmem>>
          %dma_wait3A_112 = arith.constant 0 : i32
          %dma_wait3A_113 = tpu.memref_slice %arg12[%rem3A_59, %dma_wait3A_112] : memref<2x80xi32, #tpu.memory_space<vmem>> -> memref<1x80xi32, #tpu.memory_space<vmem>>
          %dma_wait3A_114 = tpu.memref_squeeze %dma_wait3A_113 : memref<1x80xi32, #tpu.memory_space<vmem>> -> memref<80xi32, #tpu.memory_space<vmem>>
          %dma_wait3A_115 = arith.constant 0 : i32
          %dma_wait3A_116 = arith.constant 0 : i32
          %dma_wait3A_117 = tpu.memref_slice %arg9[%dma_wait3A_115, %dma_wait3A_116] : memref<25600x64xf32, #tpu.memory_space<vmem_shared>> -> memref<25600x64xf32, #tpu.memory_space<vmem_shared>>
          tpu.wait_indirect_dma semaphore(%run_scoped3A : memref<!tpu.dma_semaphore, #tpu.memory_space<semaphore_mem>>) src(%dma_wait3A_111 : memref<80x64xf32, #tpu.memory_space<vmem>>) dst(%dma_wait3A_117 : memref<25600x64xf32, #tpu.memory_space<vmem_shared>>)
          tpu.yield
        }) : () -> ()
        "tpu.region"() ({
          %run_scoped3A = tpu.sem_alloc : memref<!tpu.dma_semaphore, #tpu.memory_space<semaphore_mem>>
          %dma_start3A_98 = arith.constant 0 : i32
          %dma_start3A_99 = tpu.memref_slice %arg12[%rem3A_59, %dma_start3A_98] : memref<2x80xi32, #tpu.memory_space<vmem>> -> memref<1x80xi32, #tpu.memory_space<vmem>>
          %dma_start3A_100 = tpu.memref_squeeze %dma_start3A_99 : memref<1x80xi32, #tpu.memory_space<vmem>> -> memref<80xi32, #tpu.memory_space<vmem>>
          %dma_start3A_101 = arith.constant 0 : i32
          %dma_start3A_102 = arith.constant 0 : i32
          %dma_start3A_103 = tpu.memref_slice %arg10[%dma_start3A_101, %dma_start3A_102] : memref<25600x8xf32, #tpu.memory_space<vmem_shared>> -> memref<25600x8xf32, #tpu.memory_space<vmem_shared>>
          tpu.enqueue_indirect_dma source(%arg13 : memref<80x8xf32, #tpu.memory_space<vmem>>) target(%dma_start3A_103 : memref<25600x8xf32, #tpu.memory_space<vmem_shared>>) offsets(%dma_start3A_100 : memref<80xi32, #tpu.memory_space<vmem>>) semaphore(%run_scoped3A : memref<!tpu.dma_semaphore, #tpu.memory_space<semaphore_mem>>) {add = true}
          %dma_wait3A_104 = arith.constant 0 : i32
          %dma_wait3A_105 = tpu.memref_slice %arg12[%rem3A_59, %dma_wait3A_104] : memref<2x80xi32, #tpu.memory_space<vmem>> -> memref<1x80xi32, #tpu.memory_space<vmem>>
          %dma_wait3A_106 = tpu.memref_squeeze %dma_wait3A_105 : memref<1x80xi32, #tpu.memory_space<vmem>> -> memref<80xi32, #tpu.memory_space<vmem>>
          %dma_wait3A_107 = arith.constant 0 : i32
          %dma_wait3A_108 = arith.constant 0 : i32
          %dma_wait3A_109 = tpu.memref_slice %arg10[%dma_wait3A_107, %dma_wait3A_108] : memref<25600x8xf32, #tpu.memory_space<vmem_shared>> -> memref<25600x8xf32, #tpu.memory_space<vmem_shared>>
          tpu.wait_indirect_dma semaphore(%run_scoped3A : memref<!tpu.dma_semaphore, #tpu.memory_space<semaphore_mem>>) src(%arg13 : memref<80x8xf32, #tpu.memory_space<vmem>>) dst(%dma_wait3A_109 : memref<25600x8xf32, #tpu.memory_space<vmem_shared>>)
          tpu.yield
        }) : () -> ()
      } else {
      }
    }
    %scan3A_44 = arith.constant 40 : i32
    %barrier3A_45 = arith.constant 0 : index
    tpu.barrier barrier_id(%barrier3A_45)
    %mul3A_46 = arith.constant 25600 : i32
    %mul3A_47 = arith.muli %arg0, %mul3A_46 : i32
    %mul3A_48 = arith.constant 1600 : i32
    %mul3A_49 = arith.muli %arg1, %mul3A_48 : i32
    %add3A_50 = arith.addi %mul3A_47, %mul3A_49 : i32
    %mul3A_51 = arith.constant 1600 : i32
    %mul3A_52 = arith.muli %arg1, %mul3A_51 : i32
    "tpu.region"() ({
      %run_scoped3A = tpu.sem_alloc : memref<!tpu.dma_semaphore, #tpu.memory_space<semaphore_mem>>
      %dma_start3A_55 = arith.constant 0 : i32
      %dma_start3A_56 = tpu.memref_slice %arg7[%add3A_50, %dma_start3A_55] : memref<51200x64xf32, #tpu.memory_space<hbm>> -> memref<1600x64xf32, #tpu.memory_space<hbm>>
      %dma_start3A_57 = arith.constant 0 : i32
      %dma_start3A_58 = tpu.memref_slice %arg9[%mul3A_52, %dma_start3A_57] : memref<25600x64xf32, #tpu.memory_space<vmem_shared>> -> memref<1600x64xf32, #tpu.memory_space<vmem_shared>>
      tpu.enqueue_dma source(%dma_start3A_58 : memref<1600x64xf32, #tpu.memory_space<vmem_shared>>) target(%dma_start3A_56 : memref<1600x64xf32, #tpu.memory_space<hbm>>) target_semaphore(%run_scoped3A : memref<!tpu.dma_semaphore, #tpu.memory_space<semaphore_mem>>)
      %dma_wait3A = arith.constant 0 : i32
      %dma_wait3A_59 = tpu.memref_slice %arg7[%add3A_50, %dma_wait3A] : memref<51200x64xf32, #tpu.memory_space<hbm>> -> memref<1600x64xf32, #tpu.memory_space<hbm>>
      %dma_wait3A_60 = arith.constant 0 : i32
      %dma_wait3A_61 = tpu.memref_slice %arg9[%mul3A_52, %dma_wait3A_60] : memref<25600x64xf32, #tpu.memory_space<vmem_shared>> -> memref<1600x64xf32, #tpu.memory_space<vmem_shared>>
      tpu.wait_dma2 semaphore(%run_scoped3A : memref<!tpu.dma_semaphore, #tpu.memory_space<semaphore_mem>>) src(%dma_wait3A_61 : memref<1600x64xf32, #tpu.memory_space<vmem_shared>>) dst(%dma_wait3A_59 : memref<1600x64xf32, #tpu.memory_space<hbm>>)
      tpu.yield
    }) : () -> ()
    %mul3A_53 = arith.constant 1600 : i32
    %mul3A_54 = arith.muli %arg1, %mul3A_53 : i32
    "tpu.region"() ({
      %run_scoped3A = tpu.sem_alloc : memref<!tpu.dma_semaphore, #tpu.memory_space<semaphore_mem>>
      %dma_start3A_55 = arith.constant 0 : i32
      %dma_start3A_56 = tpu.memref_slice %arg8[%add3A_50, %dma_start3A_55] : memref<51200x8xf32, #tpu.memory_space<hbm>> -> memref<1600x8xf32, #tpu.memory_space<hbm>>
      %dma_start3A_57 = arith.constant 0 : i32
      %dma_start3A_58 = tpu.memref_slice %arg10[%mul3A_54, %dma_start3A_57] : memref<25600x8xf32, #tpu.memory_space<vmem_shared>> -> memref<1600x8xf32, #tpu.memory_space<vmem_shared>>
      tpu.enqueue_dma source(%dma_start3A_58 : memref<1600x8xf32, #tpu.memory_space<vmem_shared>>) target(%dma_start3A_56 : memref<1600x8xf32, #tpu.memory_space<hbm>>) target_semaphore(%run_scoped3A : memref<!tpu.dma_semaphore, #tpu.memory_space<semaphore_mem>>)
      %dma_wait3A = arith.constant 0 : i32
      %dma_wait3A_59 = tpu.memref_slice %arg8[%add3A_50, %dma_wait3A] : memref<51200x8xf32, #tpu.memory_space<hbm>> -> memref<1600x8xf32, #tpu.memory_space<hbm>>
      %dma_wait3A_60 = arith.constant 0 : i32
      %dma_wait3A_61 = tpu.memref_slice %arg10[%mul3A_54, %dma_wait3A_60] : memref<25600x8xf32, #tpu.memory_space<vmem_shared>> -> memref<1600x8xf32, #tpu.memory_space<vmem_shared>>
      tpu.wait_dma2 semaphore(%run_scoped3A : memref<!tpu.dma_semaphore, #tpu.memory_space<semaphore_mem>>) src(%dma_wait3A_61 : memref<1600x8xf32, #tpu.memory_space<vmem_shared>>) dst(%dma_wait3A_59 : memref<1600x8xf32, #tpu.memory_space<hbm>>)
      tpu.yield
    }) : () -> ()
    return
  }
}

module attributes {stable_mosaic.version = 14 : i64} {
  func.func @_h_body(%arg0: i32, %arg1: memref<2000x128xf32, #tpu.memory_space<vmem>>, %arg2: memref<2000x1xf32, #tpu.memory_space<vmem>>, %arg3: memref<128x128xf32, #tpu.memory_space<vmem>>, %arg4: memref<128x8xf32, #tpu.memory_space<vmem>>, %arg5: memref<1x64xf32, #tpu.memory_space<vmem>>, %arg6: memref<1x64xf32, #tpu.memory_space<vmem>>, %arg7: memref<1x64xf32, #tpu.memory_space<vmem>>, %arg8: memref<1x64xf32, #tpu.memory_space<vmem>>, %arg9: memref<1x8xf32, #tpu.memory_space<vmem>>, %arg10: memref<64x64xf32, #tpu.memory_space<vmem>>, %arg11: memref<1x64xf32, #tpu.memory_space<vmem>>, %arg12: memref<2000x64xf32, #tpu.memory_space<vmem>>) attributes {dimension_semantics = [#tpu.dimension_semantics<arbitrary>], iteration_bounds = array<i64: 50>, scalar_prefetch = 0 : i64, scratch_operands = 0 : i64, tpu.core_type = #tpu.core_type<tc>, window_params = [{transform_indices = @transform_0, window_bounds = array<i64: 2000, 128>}, {transform_indices = @transform_1, window_bounds = array<i64: 2000, 1>}, {pipeline_mode = #tpu.pipeline_mode<synchronous>, transform_indices = @transform_2, window_bounds = array<i64: 128, 128>}, {pipeline_mode = #tpu.pipeline_mode<synchronous>, transform_indices = @transform_3, window_bounds = array<i64: 128, 8>}, {pipeline_mode = #tpu.pipeline_mode<synchronous>, transform_indices = @transform_4, window_bounds = array<i64: 1, 64>}, {pipeline_mode = #tpu.pipeline_mode<synchronous>, transform_indices = @transform_5, window_bounds = array<i64: 1, 64>}, {pipeline_mode = #tpu.pipeline_mode<synchronous>, transform_indices = @transform_6, window_bounds = array<i64: 1, 64>}, {pipeline_mode = #tpu.pipeline_mode<synchronous>, transform_indices = @transform_7, window_bounds = array<i64: 1, 64>}, {pipeline_mode = #tpu.pipeline_mode<synchronous>, transform_indices = @transform_8, window_bounds = array<i64: 1, 8>}, {pipeline_mode = #tpu.pipeline_mode<synchronous>, transform_indices = @transform_9, window_bounds = array<i64: 64, 64>}, {pipeline_mode = #tpu.pipeline_mode<synchronous>, transform_indices = @transform_10, window_bounds = array<i64: 1, 64>}, {transform_indices = @transform_11, window_bounds = array<i64: 2000, 64>}]} {
    %get3A = arith.constant 0 : index
    %get3A_0 = arith.constant 0 : index
    %get3A_1 = vector.load %arg1[%get3A, %get3A_0] : memref<2000x128xf32, #tpu.memory_space<vmem>>, vector<2000x128xf32>
    %get3A_2 = arith.constant 0 : index
    %get3A_3 = arith.constant 0 : index
    %get3A_4 = vector.load %arg2[%get3A_2, %get3A_3] : memref<2000x1xf32, #tpu.memory_space<vmem>>, vector<2000x1xf32>
    %get3A_5 = arith.constant 0 : index
    %get3A_6 = arith.constant 0 : index
    %get3A_7 = vector.load %arg3[%get3A_5, %get3A_6] : memref<128x128xf32, #tpu.memory_space<vmem>>, vector<128x128xf32>
    %dot_general3A = arith.constant dense<0.000000e+00> : vector<2000x128xf32>
    %dot_general3A_8 = tpu.matmul %get3A_1, %get3A_7, %dot_general3A {dimension_numbers = #tpu.dot_dimension_numbers<[1], [0], [0], [1], [0, 0, 1, 1], [], []>, transpose_lhs_hint = false} : vector<2000x128xf32>, vector<128x128xf32>, vector<2000x128xf32> -> vector<2000x128xf32>
    %slice3A = vector.extract_strided_slice %dot_general3A_8 {offsets = [0, 0], sizes = [2000, 64], strides = [1, 1]} : vector<2000x128xf32> to vector<2000x64xf32>
    %slice3A_9 = vector.extract_strided_slice %dot_general3A_8 {offsets = [0, 64], sizes = [2000, 1], strides = [1, 1]} : vector<2000x128xf32> to vector<2000x1xf32>
    %mul3A = arith.mulf %get3A_1, %get3A_1 : vector<2000x128xf32>
    %get3A_10 = arith.constant 0 : index
    %get3A_11 = arith.constant 0 : index
    %get3A_12 = vector.load %arg4[%get3A_10, %get3A_11] : memref<128x8xf32, #tpu.memory_space<vmem>>, vector<128x8xf32>
    %dot_general3A_13 = arith.constant dense<0.000000e+00> : vector<2000x8xf32>
    %dot_general3A_14 = tpu.matmul %mul3A, %get3A_12, %dot_general3A_13 {dimension_numbers = #tpu.dot_dimension_numbers<[1], [0], [0], [1], [0, 0, 1, 1], [], []>, transpose_lhs_hint = false} : vector<2000x128xf32>, vector<128x8xf32>, vector<2000x8xf32> -> vector<2000x8xf32>
    %slice3A_15 = vector.extract_strided_slice %dot_general3A_14 {offsets = [0, 0], sizes = [2000, 1], strides = [1, 1]} : vector<2000x8xf32> to vector<2000x1xf32>
    %get3A_16 = arith.constant 0 : index
    %get3A_17 = arith.constant 0 : index
    %get3A_18 = vector.load %arg9[%get3A_16, %get3A_17] : memref<1x8xf32, #tpu.memory_space<vmem>>, vector<1x1xf32>
    %get3A_19 = vector.extract %get3A_18[0, 0] : f32 from vector<1x1xf32>
    %get3A_20 = arith.constant 0 : index
    %get3A_21 = arith.constant 1 : index
    %get3A_22 = vector.load %arg9[%get3A_20, %get3A_21] : memref<1x8xf32, #tpu.memory_space<vmem>>, vector<1x1xf32>
    %get3A_23 = vector.extract %get3A_22[0, 0] : f32 from vector<1x1xf32>
    %get3A_24 = arith.constant 0 : index
    %get3A_25 = arith.constant 2 : index
    %get3A_26 = vector.load %arg9[%get3A_24, %get3A_25] : memref<1x8xf32, #tpu.memory_space<vmem>>, vector<1x1xf32>
    %get3A_27 = vector.extract %get3A_26[0, 0] : f32 from vector<1x1xf32>
    %get3A_28 = arith.constant 0 : index
    %get3A_29 = arith.constant 3 : index
    %get3A_30 = vector.load %arg9[%get3A_28, %get3A_29] : memref<1x8xf32, #tpu.memory_space<vmem>>, vector<1x1xf32>
    %get3A_31 = vector.extract %get3A_30[0, 0] : f32 from vector<1x1xf32>
    %get3A_32 = arith.constant 0 : index
    %get3A_33 = arith.constant 4 : index
    %get3A_34 = vector.load %arg9[%get3A_32, %get3A_33] : memref<1x8xf32, #tpu.memory_space<vmem>>, vector<1x1xf32>
    %get3A_35 = vector.extract %get3A_34[0, 0] : f32 from vector<1x1xf32>
    %mul3A_36 = vector.broadcast %get3A_19 : f32 to vector<2000x1xf32>
    %mul3A_37 = arith.mulf %get3A_4, %mul3A_36 : vector<2000x1xf32>
    %add3A = arith.addf %slice3A_9, %mul3A_37 : vector<2000x1xf32>
    %add3A_38 = vector.broadcast %get3A_23 : f32 to vector<2000x1xf32>
    %add3A_39 = arith.addf %add3A, %add3A_38 : vector<2000x1xf32>
    %mul3A_40 = arith.constant 0.00520833349 : f32
    %mul3A_41 = vector.broadcast %mul3A_40 : f32 to vector<2000x1xf32>
    %mul3A_42 = arith.mulf %add3A_39, %mul3A_41 : vector<2000x1xf32>
    %mul3A_43 = arith.mulf %get3A_4, %get3A_4 : vector<2000x1xf32>
    %mul3A_44 = vector.broadcast %get3A_27 : f32 to vector<2000x1xf32>
    %mul3A_45 = arith.mulf %mul3A_43, %mul3A_44 : vector<2000x1xf32>
    %add3A_46 = arith.addf %slice3A_15, %mul3A_45 : vector<2000x1xf32>
    %mul3A_47 = vector.broadcast %get3A_31 : f32 to vector<2000x1xf32>
    %mul3A_48 = arith.mulf %get3A_4, %mul3A_47 : vector<2000x1xf32>
    %mul3A_49 = arith.constant 2.000000e+00 : f32
    %mul3A_50 = vector.broadcast %mul3A_49 : f32 to vector<2000x1xf32>
    %mul3A_51 = arith.mulf %mul3A_50, %mul3A_48 : vector<2000x1xf32>
    %add3A_52 = arith.addf %add3A_46, %mul3A_51 : vector<2000x1xf32>
    %add3A_53 = vector.broadcast %get3A_35 : f32 to vector<2000x1xf32>
    %add3A_54 = arith.addf %add3A_52, %add3A_53 : vector<2000x1xf32>
    %mul3A_55 = arith.constant 0.00520833349 : f32
    %mul3A_56 = vector.broadcast %mul3A_55 : f32 to vector<2000x1xf32>
    %mul3A_57 = arith.mulf %add3A_54, %mul3A_56 : vector<2000x1xf32>
    %mul3A_58 = arith.mulf %mul3A_42, %mul3A_42 : vector<2000x1xf32>
    %sub3A = arith.subf %mul3A_57, %mul3A_58 : vector<2000x1xf32>
    %add3A_59 = arith.constant 9.99999974E-6 : f32
    %add3A_60 = vector.broadcast %add3A_59 : f32 to vector<2000x1xf32>
    %add3A_61 = arith.addf %sub3A, %add3A_60 : vector<2000x1xf32>
    %rsqrt3A = math.rsqrt %add3A_61 : vector<2000x1xf32>
    %get3A_62 = arith.constant 0 : index
    %get3A_63 = arith.constant 0 : index
    %get3A_64 = vector.load %arg5[%get3A_62, %get3A_63] : memref<1x64xf32, #tpu.memory_space<vmem>>, vector<1x64xf32>
    %mul3A_65 = vector.broadcast %get3A_4 : vector<2000x1xf32> to vector<2000x64xf32>
    %mul3A_66 = vector.broadcast %get3A_64 : vector<1x64xf32> to vector<2000x64xf32>
    %mul3A_67 = arith.mulf %mul3A_65, %mul3A_66 : vector<2000x64xf32>
    %add3A_68 = arith.addf %slice3A, %mul3A_67 : vector<2000x64xf32>
    %get3A_69 = arith.constant 0 : index
    %get3A_70 = arith.constant 0 : index
    %get3A_71 = vector.load %arg6[%get3A_69, %get3A_70] : memref<1x64xf32, #tpu.memory_space<vmem>>, vector<1x64xf32>
    %add3A_72 = vector.broadcast %get3A_71 : vector<1x64xf32> to vector<2000x64xf32>
    %add3A_73 = arith.addf %add3A_68, %add3A_72 : vector<2000x64xf32>
    %get3A_74 = arith.constant 0 : index
    %get3A_75 = arith.constant 0 : index
    %get3A_76 = vector.load %arg7[%get3A_74, %get3A_75] : memref<1x64xf32, #tpu.memory_space<vmem>>, vector<1x64xf32>
    %mul3A_77 = vector.broadcast %mul3A_42 : vector<2000x1xf32> to vector<2000x64xf32>
    %mul3A_78 = vector.broadcast %get3A_76 : vector<1x64xf32> to vector<2000x64xf32>
    %mul3A_79 = arith.mulf %mul3A_77, %mul3A_78 : vector<2000x64xf32>
    %sub3A_80 = arith.subf %add3A_73, %mul3A_79 : vector<2000x64xf32>
    %mul3A_81 = vector.broadcast %rsqrt3A : vector<2000x1xf32> to vector<2000x64xf32>
    %mul3A_82 = arith.mulf %mul3A_81, %sub3A_80 : vector<2000x64xf32>
    %get3A_83 = arith.constant 0 : index
    %get3A_84 = arith.constant 0 : index
    %get3A_85 = vector.load %arg8[%get3A_83, %get3A_84] : memref<1x64xf32, #tpu.memory_space<vmem>>, vector<1x64xf32>
    %add3A_86 = vector.broadcast %get3A_85 : vector<1x64xf32> to vector<2000x64xf32>
    %add3A_87 = arith.addf %mul3A_82, %add3A_86 : vector<2000x64xf32>
    %gt3A = arith.constant 0.000000e+00 : f32
    %gt3A_88 = vector.broadcast %gt3A : f32 to vector<2000x64xf32>
    %gt3A_89 = arith.cmpf ogt, %add3A_87, %gt3A_88 : vector<2000x64xf32>
    %exp3A = math.exp %add3A_87 : vector<2000x64xf32>
    %sub3A_90 = arith.constant 1.000000e+00 : f32
    %sub3A_91 = vector.broadcast %sub3A_90 : f32 to vector<2000x64xf32>
    %sub3A_92 = arith.subf %exp3A, %sub3A_91 : vector<2000x64xf32>
    %mul3A_93 = arith.constant 1.67326319 : f32
    %mul3A_94 = vector.broadcast %mul3A_93 : f32 to vector<2000x64xf32>
    %mul3A_95 = arith.mulf %mul3A_94, %sub3A_92 : vector<2000x64xf32>
    %select_n3A = arith.select %gt3A_89, %add3A_87, %mul3A_95 : vector<2000x64xi1>, vector<2000x64xf32>
    %mul3A_96 = arith.constant 1.05070102 : f32
    %mul3A_97 = vector.broadcast %mul3A_96 : f32 to vector<2000x64xf32>
    %mul3A_98 = arith.mulf %mul3A_97, %select_n3A : vector<2000x64xf32>
    %get3A_99 = arith.constant 0 : index
    %get3A_100 = arith.constant 0 : index
    %get3A_101 = vector.load %arg10[%get3A_99, %get3A_100] : memref<64x64xf32, #tpu.memory_space<vmem>>, vector<64x64xf32>
    %dot_general3A_102 = arith.constant dense<0.000000e+00> : vector<2000x64xf32>
    %dot_general3A_103 = tpu.matmul %mul3A_98, %get3A_101, %dot_general3A_102 {dimension_numbers = #tpu.dot_dimension_numbers<[1], [0], [0], [1], [0, 0, 1, 1], [], []>, transpose_lhs_hint = false} : vector<2000x64xf32>, vector<64x64xf32>, vector<2000x64xf32> -> vector<2000x64xf32>
    %get3A_104 = arith.constant 0 : index
    %get3A_105 = arith.constant 0 : index
    %get3A_106 = vector.load %arg11[%get3A_104, %get3A_105] : memref<1x64xf32, #tpu.memory_space<vmem>>, vector<1x64xf32>
    %add3A_107 = vector.broadcast %get3A_106 : vector<1x64xf32> to vector<2000x64xf32>
    %add3A_108 = arith.addf %dot_general3A_103, %add3A_107 : vector<2000x64xf32>
    %gt3A_109 = arith.constant 0.000000e+00 : f32
    %gt3A_110 = vector.broadcast %gt3A_109 : f32 to vector<2000x64xf32>
    %gt3A_111 = arith.cmpf ogt, %add3A_108, %gt3A_110 : vector<2000x64xf32>
    %exp3A_112 = math.exp %add3A_108 : vector<2000x64xf32>
    %sub3A_113 = arith.constant 1.000000e+00 : f32
    %sub3A_114 = vector.broadcast %sub3A_113 : f32 to vector<2000x64xf32>
    %sub3A_115 = arith.subf %exp3A_112, %sub3A_114 : vector<2000x64xf32>
    %mul3A_116 = arith.constant 1.67326319 : f32
    %mul3A_117 = vector.broadcast %mul3A_116 : f32 to vector<2000x64xf32>
    %mul3A_118 = arith.mulf %mul3A_117, %sub3A_115 : vector<2000x64xf32>
    %select_n3A_119 = arith.select %gt3A_111, %add3A_108, %mul3A_118 : vector<2000x64xi1>, vector<2000x64xf32>
    %mul3A_120 = arith.constant 1.05070102 : f32
    %mul3A_121 = vector.broadcast %mul3A_120 : f32 to vector<2000x64xf32>
    %mul3A_122 = arith.mulf %mul3A_121, %select_n3A_119 : vector<2000x64xf32>
    %swap3A = arith.constant 0 : index
    %swap3A_123 = arith.constant 0 : index
    %swap3A_124 = vector.load %arg12[%swap3A, %swap3A_123] : memref<2000x64xf32, #tpu.memory_space<vmem>>, vector<2000x64xf32>
    tpu.vector_store %arg12[%swap3A, %swap3A_123], %mul3A_122 {strides = array<i32>} : memref<2000x64xf32, #tpu.memory_space<vmem>>, vector<2000x64xf32>,
    return
  }
  func.func @transform_0(%arg0: i32) -> (i32, i32) {
    %c0_i32 = arith.constant 0 : i32
    %c0_i32_0 = arith.constant 0 : i32
    return %arg0, %c0_i32 : i32, i32
  }
  func.func @transform_1(%arg0: i32) -> (i32, i32) {
    %c0_i32 = arith.constant 0 : i32
    %c0_i32_0 = arith.constant 0 : i32
    return %arg0, %c0_i32 : i32, i32
  }
  func.func @transform_2(%arg0: i32) -> (i32, i32) {
    %c0_i32 = arith.constant 0 : i32
    %c0_i32_0 = arith.constant 0 : i32
    %c0_i32_1 = arith.constant 0 : i32
    return %c0_i32, %c0_i32_0 : i32, i32
  }
  func.func @transform_3(%arg0: i32) -> (i32, i32) {
    %c0_i32 = arith.constant 0 : i32
    %c0_i32_0 = arith.constant 0 : i32
    %c0_i32_1 = arith.constant 0 : i32
    return %c0_i32, %c0_i32_0 : i32, i32
  }
  func.func @transform_4(%arg0: i32) -> (i32, i32) {
    %c0_i32 = arith.constant 0 : i32
    %c0_i32_0 = arith.constant 0 : i32
    %c0_i32_1 = arith.constant 0 : i32
    return %c0_i32, %c0_i32_0 : i32, i32
  }
  func.func @transform_5(%arg0: i32) -> (i32, i32) {
    %c0_i32 = arith.constant 0 : i32
    %c0_i32_0 = arith.constant 0 : i32
    %c0_i32_1 = arith.constant 0 : i32
    return %c0_i32, %c0_i32_0 : i32, i32
  }
  func.func @transform_6(%arg0: i32) -> (i32, i32) {
    %c0_i32 = arith.constant 0 : i32
    %c0_i32_0 = arith.constant 0 : i32
    %c0_i32_1 = arith.constant 0 : i32
    return %c0_i32, %c0_i32_0 : i32, i32
  }
  func.func @transform_7(%arg0: i32) -> (i32, i32) {
    %c0_i32 = arith.constant 0 : i32
    %c0_i32_0 = arith.constant 0 : i32
    %c0_i32_1 = arith.constant 0 : i32
    return %c0_i32, %c0_i32_0 : i32, i32
  }
  func.func @transform_8(%arg0: i32) -> (i32, i32) {
    %c0_i32 = arith.constant 0 : i32
    %c0_i32_0 = arith.constant 0 : i32
    %c0_i32_1 = arith.constant 0 : i32
    return %c0_i32, %c0_i32_0 : i32, i32
  }
  func.func @transform_9(%arg0: i32) -> (i32, i32) {
    %c0_i32 = arith.constant 0 : i32
    %c0_i32_0 = arith.constant 0 : i32
    %c0_i32_1 = arith.constant 0 : i32
    return %c0_i32, %c0_i32_0 : i32, i32
  }
  func.func @transform_10(%arg0: i32) -> (i32, i32) {
    %c0_i32 = arith.constant 0 : i32
    %c0_i32_0 = arith.constant 0 : i32
    %c0_i32_1 = arith.constant 0 : i32
    return %c0_i32, %c0_i32_0 : i32, i32
  }
  func.func @transform_11(%arg0: i32) -> (i32, i32) {
    %c0_i32 = arith.constant 0 : i32
    %c0_i32_0 = arith.constant 0 : i32
    return %arg0, %c0_i32 : i32, i32
  }
}

module attributes {stable_mosaic.version = 14 : i64} {
  func.func @_edge_body(%arg0: i32, %arg1: memref<3x16000xf32, #tpu.memory_space<vmem>>, %arg2: memref<64x3xf32, #tpu.memory_space<vmem>>, %arg3: memref<64x1xf32, #tpu.memory_space<vmem>>, %arg4: memref<64x16000xf32, #tpu.memory_space<vmem>>) attributes {dimension_semantics = [#tpu.dimension_semantics<arbitrary>], iteration_bounds = array<i64: 25>, scalar_prefetch = 0 : i64, scratch_operands = 0 : i64, tpu.core_type = #tpu.core_type<tc>, window_params = [{transform_indices = @transform_0, window_bounds = array<i64: 3, 16000>}, {pipeline_mode = #tpu.pipeline_mode<synchronous>, transform_indices = @transform_1, window_bounds = array<i64: 64, 3>}, {pipeline_mode = #tpu.pipeline_mode<synchronous>, transform_indices = @transform_2, window_bounds = array<i64: 64, 1>}, {transform_indices = @transform_3, window_bounds = array<i64: 64, 16000>}]} {
    %get3A = arith.constant 0 : index
    %get3A_0 = arith.constant 0 : index
    %get3A_1 = vector.load %arg2[%get3A, %get3A_0] : memref<64x3xf32, #tpu.memory_space<vmem>>, vector<64x3xf32>
    %get3A_2 = arith.constant 0 : index
    %get3A_3 = arith.constant 0 : index
    %get3A_4 = vector.load %arg1[%get3A_2, %get3A_3] : memref<3x16000xf32, #tpu.memory_space<vmem>>, vector<3x16000xf32>
    %dot_general3A = arith.constant dense<0.000000e+00> : vector<64x16000xf32>
    %dot_general3A_5 = tpu.matmul %get3A_1, %get3A_4, %dot_general3A {dimension_numbers = #tpu.dot_dimension_numbers<[1], [0], [0], [1], [0, 0, 1, 1], [], []>, transpose_lhs_hint = false} : vector<64x3xf32>, vector<3x16000xf32>, vector<64x16000xf32> -> vector<64x16000xf32>
    %get3A_6 = arith.constant 0 : index
    %get3A_7 = arith.constant 0 : index
    %get3A_8 = vector.load %arg3[%get3A_6, %get3A_7] : memref<64x1xf32, #tpu.memory_space<vmem>>, vector<64x1xf32>
    %add3A = vector.broadcast %get3A_8 : vector<64x1xf32> to vector<64x16000xf32>
    %add3A_9 = arith.addf %dot_general3A_5, %add3A : vector<64x16000xf32>
    %swap3A = arith.constant 0 : index
    %swap3A_10 = arith.constant 0 : index
    %swap3A_11 = vector.load %arg4[%swap3A, %swap3A_10] : memref<64x16000xf32, #tpu.memory_space<vmem>>, vector<64x16000xf32>
    tpu.vector_store %arg4[%swap3A, %swap3A_10], %add3A_9 {strides = array<i32>} : memref<64x16000xf32, #tpu.memory_space<vmem>>, vector<64x16000xf32>,
    return
  }
  func.func @transform_0(%arg0: i32) -> (i32, i32) {
    %c0_i32 = arith.constant 0 : i32
    %c0_i32_0 = arith.constant 0 : i32
    return %c0_i32, %arg0 : i32, i32
  }
  func.func @transform_1(%arg0: i32) -> (i32, i32) {
    %c0_i32 = arith.constant 0 : i32
    %c0_i32_0 = arith.constant 0 : i32
    %c0_i32_1 = arith.constant 0 : i32
    return %c0_i32, %c0_i32_0 : i32, i32
  }
  func.func @transform_2(%arg0: i32) -> (i32, i32) {
    %c0_i32 = arith.constant 0 : i32
    %c0_i32_0 = arith.constant 0 : i32
    %c0_i32_1 = arith.constant 0 : i32
    return %c0_i32, %c0_i32_0 : i32, i32
  }
  func.func @transform_3(%arg0: i32) -> (i32, i32) {
    %c0_i32 = arith.constant 0 : i32
    %c0_i32_0 = arith.constant 0 : i32
    return %c0_i32, %arg0 : i32, i32
  }
}

module attributes {stable_mosaic.version = 14 : i64} {
  func.func @_comb_body(%arg0: i32, %arg1: memref<2x1000x64xf32, #tpu.memory_space<vmem>>, %arg2: memref<2x1000x8xf32, #tpu.memory_space<vmem>>, %arg3: memref<1000x64xf32, #tpu.memory_space<vmem>>) attributes {dimension_semantics = [#tpu.dimension_semantics<arbitrary>], iteration_bounds = array<i64: 25>, scalar_prefetch = 0 : i64, scratch_operands = 0 : i64, tpu.core_type = #tpu.core_type<tc>, window_params = [{transform_indices = @transform_0, window_bounds = array<i64: 2, 1000, 64>}, {transform_indices = @transform_1, window_bounds = array<i64: 2, 1000, 8>}, {transform_indices = @transform_2, window_bounds = array<i64: 1000, 64>}]} {
    %get3A = arith.constant 0 : index
    %get3A_0 = arith.constant 0 : index
    %get3A_1 = arith.constant 0 : index
    %get3A_2 = vector.load %arg1[%get3A, %get3A_0, %get3A_1] : memref<2x1000x64xf32, #tpu.memory_space<vmem>>, vector<1x1000x64xf32>
    %get3A_3 = vector.shape_cast %get3A_2 : vector<1x1000x64xf32> to vector<1000x64xf32>
    %get3A_4 = arith.constant 1 : index
    %get3A_5 = arith.constant 0 : index
    %get3A_6 = arith.constant 0 : index
    %get3A_7 = vector.load %arg1[%get3A_4, %get3A_5, %get3A_6] : memref<2x1000x64xf32, #tpu.memory_space<vmem>>, vector<1x1000x64xf32>
    %get3A_8 = vector.shape_cast %get3A_7 : vector<1x1000x64xf32> to vector<1000x64xf32>
    %add3A = arith.addf %get3A_3, %get3A_8 : vector<1000x64xf32>
    %get3A_9 = arith.constant 0 : index
    %get3A_10 = arith.constant 0 : index
    %get3A_11 = arith.constant 0 : index
    %get3A_12 = vector.load %arg2[%get3A_9, %get3A_10, %get3A_11] : memref<2x1000x8xf32, #tpu.memory_space<vmem>>, vector<1x1000x1xf32>
    %get3A_13 = vector.shape_cast %get3A_12 : vector<1x1000x1xf32> to vector<1000x1xf32>
    %get3A_14 = arith.constant 1 : index
    %get3A_15 = arith.constant 0 : index
    %get3A_16 = arith.constant 0 : index
    %get3A_17 = vector.load %arg2[%get3A_14, %get3A_15, %get3A_16] : memref<2x1000x8xf32, #tpu.memory_space<vmem>>, vector<1x1000x1xf32>
    %get3A_18 = vector.shape_cast %get3A_17 : vector<1x1000x1xf32> to vector<1000x1xf32>
    %add3A_19 = arith.addf %get3A_13, %get3A_18 : vector<1000x1xf32>
    %max3A = arith.constant 1.000000e+00 : f32
    %max3A_20 = vector.broadcast %max3A : f32 to vector<1000x1xf32>
    %max3A_21 = arith.maximumf %add3A_19, %max3A_20 : vector<1000x1xf32>
    %div3A = vector.broadcast %max3A_21 : vector<1000x1xf32> to vector<1000x64xf32>
    %div3A_22 = arith.divf %add3A, %div3A : vector<1000x64xf32>
    %swap3A = arith.constant 0 : index
    %swap3A_23 = arith.constant 0 : index
    %swap3A_24 = vector.load %arg3[%swap3A, %swap3A_23] : memref<1000x64xf32, #tpu.memory_space<vmem>>, vector<1000x64xf32>
    tpu.vector_store %arg3[%swap3A, %swap3A_23], %div3A_22 {strides = array<i32>} : memref<1000x64xf32, #tpu.memory_space<vmem>>, vector<1000x64xf32>,
    return
  }
  func.func @transform_0(%arg0: i32) -> (i32, i32, i32) {
    %c0_i32 = arith.constant 0 : i32
    %c0_i32_0 = arith.constant 0 : i32
    %c0_i32_1 = arith.constant 0 : i32
    return %c0_i32, %arg0, %c0_i32_0 : i32, i32, i32
  }
  func.func @transform_1(%arg0: i32) -> (i32, i32, i32) {
    %c0_i32 = arith.constant 0 : i32
    %c0_i32_0 = arith.constant 0 : i32
    %c0_i32_1 = arith.constant 0 : i32
    return %c0_i32, %arg0, %c0_i32_0 : i32, i32, i32
  }
  func.func @transform_2(%arg0: i32) -> (i32, i32) {
    %c0_i32 = arith.constant 0 : i32
    %c0_i32_0 = arith.constant 0 : i32
    return %arg0, %c0_i32 : i32, i32
  }
}

</mosaic_0001>

<sc_bundles>
// kernel: kernel.6.cloned.1.call-start
scs
__scs_entry_jumppad:
0x0: {  	(pc) =	sbr.rel $0x88, $3  }
0x1: {  	(tag) =	ssettag $0x0;
	lr =	simm.s32 $0x1  }
0x2: {  	[smem:$0x3F93] =	sst lr;
	_ =	strace $0xD0000000  }
0x3: {  	_ = 	snop  }
0x4: {  	_ = 	snop  }
0x5: {  	_ = 	snop  }
0x6: {  	_ = 	snop  }
0x7: {  	_ = 	snop  }
__scs_overlays_trampoline_lowered:
0x8: {  	[smem:$0x3FA2] =	sst s0  }
0x9: {  	[smem:$0x3FA3] =	sst s1  }
0xa: {  	[smem:$0x3FA4] =	sst s2  }
0xb: {  	[smem:$0x3FA5] =	sst s3  }
0xc: {  	[smem:$0x3FA6] =	sst s4  }
0xd: {  	[smem:$0x3FA7] =	sst s5  }
0xe: {  	[smem:$0x3FA8] =	sst s6  }
0xf: {  	[smem:$0x3FA9] =	sst s7  }
0x10: {  	[smem:$0x3FAA] =	sst s8  }
0x11: {  	[smem:$0x3FAB] =	sst s9;
	s0 =	simm.s32 @!p0 $0x0  }
0x12: {  	s1 =	sld [smem:$0x3F91];
	s0 =	simm.s32 @p0 $0x1  }
0x13: {  	[smem:$0x3FAC] =	sst s0;
	s0 =	simm.s32 @!p1 $0x0  }
0x14: {  	s2 =	sld [smem:$0x3F90];
	s0 =	simm.s32 @p1 $0x1  }
0x15: {  	[smem:$0x3FAD] =	sst s0;
	s0 =	simm.s32 @!p2 $0x0  }
0x16: {  	s3 =	sld [smem:$0x3FDB];
	s0 =	simm.s32 @p2 $0x1  }
0x17: {  	s4 =	simm.s32 $0x1BF5;
	[smem:$0x3FAF] =	sst s0  }
0x18: {  	s0 =	sld [smem:$0x3F92];
	_ =	swait.ge [sflag:s4], $0x0  }
0x19: {  	s7 =	sld [smem:$0x3F93]  }
0x1a: {  	s8 =	sadd.s32 $0xFFFFE003, lr  }
0x1b: {  	s9 =	sadd.s32 $0xFFFFFEF7, lr;
	s5 =	simm.s32 $0xFFFFFFFF;
	p2 =	slt.u32 s8, $0xFFFFF086  }
0x1c: {  	p1 =	slt.u32 s9, $0xF7A;
	s5 =	simm.s32 @!p2 $0x0  }
0x1d: {  	s5 =	simm.s32 @p1 $0x1;
	p0 =	seq.s32 s7, s2  }
0x1e: {  	s7 =	smul.u32 @!p0 $0xF7A, s2;
	p2 =	seq.s32 @!p0 s5, $0x0  }
0x1f: {  	s9 =	smul.u32 $0xF7A, s1;
	s8 =	simm.s32 @!p0 $0x1BF5;
	p2 =	por !p2, p0  }
0x20: {  	[sflag:s8] =	ssyncset.s32 @!p0 $0xFFFFF086;
	s6 =	sadd.s32 @!p0 s3, s7;
	s7 =	simm.s32 @!p0 $0x108  }
0x21: {  	s3 =	sadd.s32 s3, s9;
	s6 =	sadd.s32 @!p0 $0x88, s6;
	s7 =	simm.s32 @p2 $0x1082  }
0x22: {  	[simem:s7], [sflag:s8] =	dma.local @!p0 [hbm:s6], $0xF7A  }
0x23: {  	s9 =	sor.u32 $0xD0000000, s2;
	s6 =	simm.s32 $0x108;
	_ =	swait.ge @!p0 [sflag:s8], $0x0  }
0x24: {  	s3 =	sadd.s32 $0x88, s3;
	s6 =	simm.s32 @!p1 $0x1082;
	[sflag:s4] =	ssyncset.s32 $0xFFFFF086  }
0x25: {  	[simem:s6], [sflag:s4] =	dma.local [hbm:s3], $0xF7A  }
0x26: {  	[smem:$0x3F93] =	sst s1;
	(tag) =	ssettag s2;
	_ =	strace s9  }
0x27: {  	s1 =	sld [smem:$0x3FA3]  }
0x28: {  	s2 =	sld [smem:$0x3FA4]  }
0x29: {  	s4 =	sld [smem:$0x3FA6]  }
0x2a: {  	p0 =	seq.s32 s5, $0x0;
	s5 =	sld [smem:$0x3FA7]  }
0x2b: {  	s6 =	sld [smem:$0x3FA8]  }
0x2c: {  	s7 =	sld [smem:$0x3FA9]  }
0x2d: {  	s3 =	simm.s32 $0x108;
	s8 =	sld [smem:$0x3FAA]  }
0x2e: {  	s3 =	simm.s32 @!p0 $0x1082;
	s9 =	sld [smem:$0x3FAB]  }
0x2f: {  	lr =	sadd.s32 s0, s3;
	s0 =	sld [smem:$0x3FA2]  }
0x30: {  	s3 =	sld [smem:$0x3FA5]  }
0x31: {  	[smem:$0x3FAE] =	sst s10  }
0x32: {  	s10 =	sld [smem:$0x3FAC];
	_ =	sdelay $0x3  }
0x33: {  	p0 =	seq.s32 s10, $0x1;
	s10 =	sld [smem:$0x3FAE];
	_ =	sdelay $0x3  }
0x34: {  	[smem:$0x3FAE] =	sst s10  }
0x35: {  	s10 =	sld [smem:$0x3FAD];
	_ =	sdelay $0x3  }
0x36: {  	p1 =	seq.s32 s10, $0x1;
	s10 =	sld [smem:$0x3FAE];
	_ =	sdelay $0x3  }
0x37: {  	[smem:$0x3FAE] =	sst s10  }
0x38: {  	s10 =	sld [smem:$0x3FAF]  }
0x39: {  	_ = 	snop;
	(pc) =	sbr.ind lr, $3  }
0x3a: {  	_ = 	snop  }
0x3b: {  	_ = 	snop  }
0x3c: {  	p2 =	seq.s32 s10, $0x1;
	s10 =	sld [smem:$0x3FAE]  }
0x3d: {  	_ =	shalt  }
0x3e: {  	_ =	shalt  }
0x3f: {  	_ =	shalt  }
0x40: {  	_ =	shalt  }
0x41: {  	_ =	shalt  }
0x42: {  	_ =	shalt  }
0x43: {  	_ =	shalt  }
0x44: {  	_ =	shalt  }
0x45: {  	_ =	shalt  }
0x46: {  	_ =	shalt  }
0x47: {  	_ =	shalt  }
0x48: {  	_ =	shalt  }
0x49: {  	_ =	shalt  }
0x4a: {  	_ =	shalt  }
0x4b: {  	_ =	shalt  }
0x4c: {  	_ =	shalt  }
0x4d: {  	_ =	shalt  }
0x4e: {  	_ =	shalt  }
0x4f: {  	_ =	shalt  }
0x50: {  	_ =	shalt  }
0x51: {  	_ =	shalt  }
0x52: {  	_ =	shalt  }
0x53: {  	_ =	shalt  }
0x54: {  	_ =	shalt  }
0x55: {  	_ =	shalt  }
0x56: {  	_ =	shalt  }
0x57: {  	_ =	shalt  }
0x58: {  	_ =	shalt  }
0x59: {  	_ =	shalt  }
0x5a: {  	_ =	shalt  }
0x5b: {  	_ =	shalt  }
0x5c: {  	_ =	shalt  }
0x5d: {  	_ =	shalt  }
0x5e: {  	_ =	shalt  }
0x5f: {  	_ =	shalt  }
0x60: {  	_ =	shalt  }
0x61: {  	_ =	shalt  }
0x62: {  	_ =	shalt  }
0x63: {  	_ =	shalt  }
0x64: {  	_ =	shalt  }
0x65: {  	_ =	shalt  }
0x66: {  	_ =	shalt  }
0x67: {  	_ =	shalt  }
0x68: {  	_ =	shalt  }
0x69: {  	_ =	shalt  }
0x6a: {  	_ =	shalt  }
0x6b: {  	_ =	shalt  }
0x6c: {  	_ =	shalt  }
0x6d: {  	_ =	shalt  }
0x6e: {  	_ =	shalt  }
0x6f: {  	_ =	shalt  }
0x70: {  	_ =	shalt  }
0x71: {  	_ =	shalt  }
0x72: {  	_ =	shalt  }
0x73: {  	_ =	shalt  }
0x74: {  	_ =	shalt  }
0x75: {  	_ =	shalt  }
0x76: {  	_ =	shalt  }
0x77: {  	_ =	shalt  }
0x78: {  	_ =	shalt  }
0x79: {  	_ =	shalt  }
0x7a: {  	_ =	shalt  }
0x7b: {  	_ =	shalt  }
0x7c: {  	_ =	shalt  }
0x7d: {  	_ =	shalt  }
0x7e: {  	_ =	shalt  }
0x7f: {  	_ =	shalt  }
0x80: {  	_ =	shalt  }
0x81: {  	_ =	shalt  }
0x82: {  	_ =	shalt  }
0x83: {  	_ =	shalt  }
0x84: {  	_ =	shalt  }
0x85: {  	_ =	shalt  }
0x86: {  	_ =	shalt  }
0x87: {  	_ =	shalt  }
.Lfunc_end0:
.L_simem_size_0:
called_computation_lowered:
.L_overlay_start_0:
0x88: {  	s2 =	sld [smem:$0x3FD9]  }
0x89: {  	s3 =	sld [smem:$0x3FFE];
	_ =	sdelay $0x1  }
0x8a: {  	s1 =	srdreg.scid  }
0x8b: {  	s0 =	sand.u32 $0x1, s1  }
0x8c: {  	s14 =	sshll.u32 s0, $0xA;
	s2 =	sadd.s32 s3, s2  }
0x8d: {  	s2 =	sadd.s32 s2, s14  }
0x8e: {  	[smem:$0x3FBA] =	sst s2  }
0x8f: {  	_ = 	snop  }
0x90: {  	s2 =	sld [smem:$0x3FD0];
	_ =	sdelay $0x2  }
0x91: {  	s4 =	simm.s32 $0xA;
	s5 =	simm.s32 $0x10;
	s15 =	sld [smem:$0x3FC7]  }
0x92: {  	[smem:s5], [sflag:s4] =	dma.local [hbm:s2], $0x1  }
0x93: {  	_ =	swait.eq [sflag:s4], $0x1  }
0x94: {  	[sflag:s4] =	ssyncset.done $0x0  }
0x95: {  	[sflag:s4] =	ssyncadd.s32 $0xFFFFFFFF  }
0x96: {  	s16 =	sld [smem:$0x10];
	(tm) =	ssettm $0x1  }
0x97: {  	s17 =	sld [smem:$0x3FFB];
	_ =	sdelay $0x3  }
0x98: {  	_ =	strace s17  }
0x99: {  	s4 =	sld [smem:$0x3FFC];
	_ =	sdelay $0x3  }
0x9a: {  	_ =	strace s4  }
0x9b: {  	s4 =	sld [smem:$0x3FFD];
	_ =	sdelay $0x3  }
0x9c: {  	_ =	strace s4  }
0x9d: {  	_ =	strace $0x8FFFFFFF  }
0x9e: {  	s18 =	sld [smem:$0x3FDB];
	_ =	sdelay $0x1  }
0x9f: {  	s19 =	simm.s32 $_scs_section_size  }
0xa0: {  	s6 =	simm.s32 $_size__tile_overlayer_lowered;
	s7 =	simm.s32 $_tile_overlayer_lowered  }
0xa1: {  	s22 =	simm.s32 $0x1BFF;
	s21 =	sshll.u32 s7, $0x1;
	s4 =	sadd.s32 s19, s18  }
0xa2: {  	s8 =	simm.s32 $0x0;
	s20 =	sshll.u32 s6, $0x1;
	s6 =	sadd.s32 s21, s4  }
0xa3: {  	[timem:s8], [sflag:s22] =	dma.local [hbm:s6], s20  }
0xa4: {  	_ =	swait.ge [sflag:s22], s20  }
0xa5: {  	s5 =	ssub.s32 $0x0, s20;
	[sflag:s22] =	ssyncset.done $0x0  }
0xa6: {  	[sflag:s22] =	ssyncadd.s32 s5;
	_ =	sdelay $0x1  }
0xa7: {  	s23 =	simm.s32 $0x1B8B  }
0xa8: {  	_ =	swait.ge [sflag:s23], $0x1  }
0xa9: {  	[sflag:s23] =	ssyncset.done $0x0  }
0xaa: {  	s25 =	simm.s32 $0x1B8E;
	s24 =	sld [smem:$0x3FFE];
	[sflag:s23] =	ssyncadd.s32 $0xFFFFFFFF  }
0xab: {  	s26 =	simm.s32 $execute0_lowered;
	[smem:$0x3FD2] =	sst s25  }
0xac: {  	s6 =	sshll.u32 s26, $0x1;
	_ =	strace $0x80000046;
	[dreg:$0x1] =	wrdreg $0xFFFFFFFF  }
0xad: {  	s28 =	simm.s32 $_size_execute0_lowered;
	s4 =	sadd.s32 s4, s6;
	[dreg:$0x0] =	wrdreg $0x0  }
0xae: {  	s6 =	sshll.u32 s28, $0x1;
	[dreg:$0x2] =	wrdreg s4  }
0xaf: {  	[dreg:$0x3] =	wrdreg s6  }
0xb0: {  	[dreg:$0x4] =	wrdreg $0xC0  }
0xb1: {  	_ =	task [dreg:s8], $0x5FFFF  }
0xb2: {  	[dreg:$0x1] =	wrdreg $0xFFFFFFFF  }
0xb3: {  	[dreg:$0x0] =	wrdreg $0x60  }
0xb4: {  	[dreg:$0x2] =	wrdreg s24  }
0xb5: {  	[dreg:$0x3] =	wrdreg s15  }
0xb6: {  	[dreg:$0x4] =	wrdreg s16  }
0xb7: {  	[dreg:$0x5] =	wrdreg $0x0  }
0xb8: {  	[dreg:$0x6] =	wrdreg $0x190000  }
0xb9: {  	[dreg:$0x7] =	wrdreg $0x9  }
0xba: {  	_ =	task.clear_ibuf [dreg:s8], $0x8FFFF;
	_ =	strace $0x90000046  }
0xbb: {  	s29 =	simm.s32 $0x9;
	_ =	strace $0x80000048  }
0xbc: {  	_ =	swait.ge [sflag:s29], $0x1  }
0xbd: {  	[sflag:s29] =	ssyncadd.s32 $0xFFFFFFFF  }
0xbe: {  	_ =	strace $0x90000048  }
0xbf: {  	_ =	sfence  }
0xc0: {  	s30 =	sld [smem:$0x0];
	_ =	sdelay $0x2  }
0xc1: {  	s31 =	sshll.u32 s1, $0xD;
	s1 =	sshrl.u32 s1, $0x2  }
0xc2: {  	s3 =	sand.u32 $0x4000, s31;
	s1 =	sadd.s32 s1, s30  }
0xc3: {  	s0 =	sor.u32 s3, s0;
	s1 =	sshll.u32 s1, $0x11  }
0xc4: {  	s0 =	sor.u32 s1, s0  }
0xc5: {  	s0 =	sadd.s32 $0x8F2B, s0  }
0xc6: {  	[sflag:s0] =	ssyncadd.remote.s32 $0x1  }
0xc7: {  	_ =	sfence.sel $0xFFFF  }
0xc8: {  	[dreg:$0x0] =	wrdreg $0xFFFFFFFF;
	(pc) =	sbr.abs _section_cstart, $3  }
0xc9: {  	[dreg:$0x1] =	wrdreg $0xFFFFFFFF  }
0xca: {  	_ =	task.clear_ibuf [dreg:s8], $0x2FFFF;
	_ =	strace $0x9FFFFFFF  }
0xcb: {  	(tm) =	ssettm $0x7FFFFFFF  }
tec
execute0_lowered:
.L_overlay_start_1:
0x0: {  	(tag) =	ssettag $0x1  }
0x1: {  	s7 =	rddreg [dreg:$0x0]  }
0x2: {  	s13 =	rddreg [dreg:$0x1]  }
0x3: {  	s14 =	rddreg [dreg:$0x2]  }
0x4: {  	s1 =	rddreg [dreg:$0x3];
	s0 =	stileid.u32  }
0x5: {  	s3 =	rddreg [dreg:$0x4];
	s8 =	smul.u32 $0x19000, s0  }
0x6: {  	s4 =	simm.s32 $0x0;
	s5 =	srdreg.scid;
	s9 =	smul.u32 $0x3200, s0  }
0x7: {  	[smem:$0x7FF] =	sst s4;
	s15 =	sadd.s32 $0x186E00, s7;
	s11 =	smul.u32 $0x640, s0  }
0x8: {  	s10 =	sand.u32 $0x1, s5;
	s5 =	sadd.s32 $0x38800, s7;
	s23 =	smul.u32 $0xA, s0  }
0x9: {  	s25 =	sshll.u32 s0, $0x6;
	_ =	strace $0x80000047;
	s29 =	smul.u32 $0x6400, s10  }
0xa: {  	s17 =	sshll.u32 s10, $0x4;
	s30 =	ssub.s32 $0x2, s10;
	s22 =	smul.u32 $0xA0, s10  }
0xb: {  	s26 =	smul.u32 $0x2800, s10;
	s6 =	sshrl.u32 s8, $0x3;
	s28 =	sshrl.u32 s9, $0x3  }
0xc: {  	s19 =	sshrl.u32 s30, $0x1;
	s21 =	sadd.s32 s8, s1;
	s8 =	sor.u32 $0x1C05, s25  }
0xd: {  	s24 =	sadd.s32 s9, s3;
	s25 =	simm.s32 $0x0;
	s12 =	sadd.s32 s6, s7  }
0xe: {  	s16 =	sadd.s32 s28, s7;
	s18 =	sadd.s32 s11, s29;
	s6 =	sor.u32 s0, s17  }
0xf: {  	s19 =	ssub.s32 s30, s19;
	s28 =	smul.u32 $0x280, s0;
	s29 =	sadd.s32 s22, s13  }
0x10: {  	s22 =	simm.s32 $0x1EA00;
	s31 =	sshll.u32 s18, $0x3;
	s20 =	smul.u32 $0x280, s6  }
0x11: {  	s2 =	smul.u32 $0xA, s6;
	s9 =	sadd.s32 $0x32400, s16;
	s30 =	sadd.s32 s23, s29  }
0x12: {  	s23 =	simm.s32 $0x50;
	s17 =	sadd.s32 s31, s7;
	s7 =	sadd.s32 $0x400, s12  }
.Ltmp0:
0x13: {  	s10 =	sadd.s32 s15, s20;
	s11 =	sadd.s32 s13, s2;
	(pc) =	sbr.rel .LBB2_1-.Ltmp0, $4  }
0x14: {  	s12 =	sadd.s32 $0x38A00, s17;
	s15 =	sadd.s32 s26, s15;
	s13 =	sadd.s32 s14, s18  }
0x15: {  	s14 =	smax.u32 s19, $0x1;
	s17 =	sshrl.u32 s21, $0x3;
	s18 =	simm.s32 $0x5  }
0x16: {  	s19 =	sshrl.u32 s24, $0x3;
	s20 =	simm.s32 $0x1EAA0;
	s31 =	sadd.s32 s28, s15  }
0x17: {  	s24 =	simm.s32 $0x6;
	s15 =	sadd.s32 $0x140, s30;
	s16 =	sadd.s32 $0x5000, s31  }
.LBB2_7:
0x18: {  	[bflag:$0x0] =	sbarrier.arrive $0xFFFF  }
0x19: {  	[hbm:s12], [sflag:s8] =	dma.local [spmem:s17], $0x3200  }
0x1a: {  	s25 =	sadd.s32 $0x1, s25;
	_ =	swait.ge [sflag:s18], $0x3200  }
0x1b: {  	p0 =	sne.s32 s25, s14;
	[sflag:s18] =	ssyncset.done $0x0  }
.Ltmp1:
0x1c: {  	[sflag:s18] =	ssyncadd.s32 $0xFFFFCE00;
	(pc) =	sbr.rel @!p0 .LBB2_8-.Ltmp1, $4  }
0x1d: {  	[hbm:s13], [sflag:s8] =	dma.local [spmem:s19], $0x640  }
0x1e: {  	_ =	swait.ge [sflag:s18], $0x640  }
0x1f: {  	[sflag:s18] =	ssyncset.done $0x0  }
0x20: {  	[sflag:s18] =	ssyncadd.s32 $0xFFFFF9C0  }
.LBB2_1:
0x21: {  	[spmem:s17], [sflag:s8] =	dma.local [hbm:s7], $0x3200  }
0x22: {  	_ =	swait.ge [sflag:s18], $0x3200  }
0x23: {  	[sflag:s18] =	ssyncset.done $0x0  }
0x24: {  	[sflag:s18] =	ssyncadd.s32 $0xFFFFCE00  }
0x25: {  	[spmem:s19], [sflag:s8] =	dma.local [hbm:s9], $0x640  }
0x26: {  	_ =	swait.ge [sflag:s18], $0x640  }
0x27: {  	[sflag:s18] =	ssyncset.done $0x0  }
0x28: {  	[sflag:s18] =	ssyncadd.s32 $0xFFFFF9C0  }
0x29: {  	[tilespmem:s20], [sflag:$0x5] =	stream.linear.gather [hbm4b:s5+s4], $0x280, $0x38;
	[tilespmem:$0x1ED20] =	vst v63  }
0x2a: {  	_ =	swait.ge [sflag:s18], $0x280  }
0x2b: {  	[sflag:s18] =	ssyncset.done $0x0  }
.Ltmp2:
0x2c: {  	[sflag:s18] =	ssyncadd.s32 $0xFFFFFD80;
	(pc) =	sbr.rel .LBB2_2-.Ltmp2, $4  }
0x2d: {  	s0 =	simm.s32 $0x1C200;
	s26 =	simm.s32 $0x1;
	[bflag:$0x0] =	sbarrier.arrive $0xFFFF  }
0x2e: {  	[tilespmem:s0], [sflag:$0x1] =	stream.linear.gather [hbm4b:s10+s4], $0x1400, $0x38;
	[tilespmem:$0x1ED20] =	vst v63  }
0x2f: {  	s28 =	smov.u32 s16;
	s29 =	smov.u32 s15;
	s30 =	smov.u32 s6  }
0x30: {  	[tilespmem:s22], [sflag:$0x3] =	stream.linear.gather [hbm4b:s11+s4], $0x50, $0x38;
	[tilespmem:$0x1ED20] =	vst v63  }
.LBB2_3:
0x31: {  	s31 =	sand.u32 $0x1, s26  }
0x32: {  	s0 =	smul.u32 $0x5000, s31  }
0x33: {  	s21 =	smul.u32 $0x140, s31  }
0x34: {  	s0 =	sshrl.u32 s0, $0x2  }
0x35: {  	s2 =	sadd.s32 $0x1, s31;
	s21 =	sshrl.u32 s21, $0x2;
	s0 =	sor.u32 $0x1C200, s0  }
0x36: {  	[tilespmem:s0], [sflag:s2] =	stream.linear.gather [hbm4b:s28+s4], $0x1400, $0x38;
	[tilespmem:$0x1ED20] =	vst v63  }
0x37: {  	s31 =	sadd.s32 $0x3, s31;
	s0 =	sor.u32 $0x1EA00, s21  }
0x38: {  	[tilespmem:s0], [sflag:s31] =	stream.linear.gather [hbm4b:s29+s4], $0x50, $0x38;
	[tilespmem:$0x1ED20] =	vst v63  }
.LBB2_5:
0x39: {  	s0 =	sadd.s32 $0xFFFFFFFF, s26  }
0x3a: {  	s0 =	sand.u32 $0x1, s0  }
0x3b: {  	s2 =	sadd.s32 $0x1, s0  }
0x3c: {  	_ =	swait.ge [sflag:s2], $0x1400  }
0x3d: {  	s21 =	smul.u32 $0x5000, s0;
	[sflag:s2] =	ssyncset.done $0x0  }
0x3e: {  	s31 =	sadd.s32 $0x3, s0;
	s0 =	smul.u32 $0x140, s0;
	[sflag:s2] =	ssyncadd.s32 $0xFFFFEC00  }
0x3f: {  	_ =	swait.ge [sflag:s31], $0x50  }
0x40: {  	s21 =	sshrl.u32 s21, $0x2;
	s0 =	sshrl.u32 s0, $0x2;
	[sflag:s31] =	ssyncset.done $0x0  }
0x41: {  	s21 =	sor.u32 $0x1C200, s21;
	s0 =	sor.u32 $0x1EA00, s0;
	[sflag:s31] =	ssyncadd.s32 $0xFFFFFFB0  }
0x42: {  	[spmem:s1] =	stream.indirect.scatter.add.f32 [tilespmem:s21], [sflag:$0x6], $0x40, s0, s23, $0xb8;
	[tilespmem:$0x1ED20] =	vst v63  }
0x43: {  	_ =	swait.ge [sflag:s24], $0x1400  }
0x44: {  	[sflag:s24] =	ssyncset.done $0x0  }
0x45: {  	[sflag:s24] =	ssyncadd.s32 $0xFFFFEC00  }
0x46: {  	[spmem:s3] =	stream.indirect.scatter.add.f32 [tilespmem:s20], [sflag:$0x5], $0x8, s0, s23, $0xb8;
	[tilespmem:$0x1ED20] =	vst v63  }
0x47: {  	_ =	swait.ge [sflag:s18], $0x280  }
0x48: {  	[sflag:s18] =	ssyncset.done $0x0  }
0x49: {  	[sflag:s18] =	ssyncadd.s32 $0xFFFFFD80  }
.LBB2_6:
0x4a: {  	s26 =	sadd.s32 $0x1, s26  }
0x4b: {  	p0 =	sne.s32 s26, $0x29  }
.Ltmp3:
0x4c: {  	_ = 	snop;
	(pc) =	sbr.rel @!p0 .LBB2_7-.Ltmp3, $2  }
0x4d: {  	_ =	sdelay $0x2  }
0x4e: {  	s30 =	sadd.s32 $0x20, s30;
	s29 =	sadd.s32 $0x140, s29;
	s28 =	sadd.s32 $0x5000, s28  }
.LBB2_2:
0x4f: {  	p0 =	sgt.u32 s30, $0x4C1  }
.Ltmp4:
0x50: {  	_ = 	snop;
	(pc) =	sbr.rel @!p0 .LBB2_3-.Ltmp4, $1  }
0x51: {  	_ =	sdelay $0x3  }
0x52: {  	p0 =	sgt.u32 s30, $0x4E1  }
.Ltmp5:
0x53: {  	_ = 	snop;
	(pc) =	sbr.rel @p0 .LBB2_6-.Ltmp5, $4  }
.Ltmp6:
0x54: {  	_ = 	snop;
	(pc) =	sbr.rel @!p0 .LBB2_5-.Ltmp6, $4  }
0x55: {  	_ = 	snop  }
0x56: {  	_ = 	snop  }
0x57: {  	_ = 	snop  }
0x58: {  	_ = 	snop  }
.LBB2_8:
0x59: {  	_ =	sfence.sel $0x180000  }
0x5a: {  	[bflag:$0x0] =	sbarrier.arrive $0xFFFF  }
0x5b: {  	_ =	strace $0x90000047  }
0x5c: {  	s0 =	stileid.u32;
	[bflag:$0x2] =	sbarrier.arrive $0xFFFF  }
0x5d: {  	p0 =	sne.s32 s0, $0x0;
	s0 =	rddreg [dreg:$0x5]  }
0x5e: {  	s0 =	sadd.s32 @!p0 $0x100000, s0  }
0x5f: {  	[sflag:s0] =	ssyncadd.tile.s32 @!p0 $0x1;
	_ =	shalt  }
.Lfunc_end2:
_tile_overlayer_lowered:
.L_overlay_start_2:
0x60: {  	(tag) =	ssettag $0x2  }
0x61: {  	s0 =	rddreg [dreg:$0x0];
	s2 =	stileid.u32  }
0x62: {  	s1 =	rddreg [dreg:$0x1];
	p0 =	sne.s32 s2, $0x0  }
0x63: {  	s3 =	rddreg [dreg:$0x2];
	[bflag:$0x3] =	sbarrier.arrive $0xFFFF;
	s2 =	simm.s32 @!p0 $0x1C05  }
0x64: {  	[timem:s3], [sflag:s2] =	dma.local @!p0 [hbm:s0], s1  }
0x65: {  	s0 =	simm.s32 @!p0 $0x5  }
0x66: {  	_ =	swait.ge @!p0 [sflag:s0], s1  }
0x67: {  	s1 =	ssub.s32 @!p0 $0x0, s1;
	[sflag:s0] =	ssyncset.done @!p0 $0x0  }
0x68: {  	[sflag:s0] =	ssyncadd.s32 @!p0 s1  }
0x69: {  	[bflag:$0x3] =	sbarrier.arrive $0xFFFF  }
0x6a: {  	_ =	shalt  }

</sc_bundles>
